<compile_context>
chip_gen: v7x
topology: tpu7x:2x2x1
jax: 0.10.2.dev20260603
libtpu: 0.0.44.dev20260713+nightly
codegen_flags: <defaults>
</compile_context>

<pallas_src>
import functools

import jax
import jax.numpy as jnp
from jax import lax
from jax.experimental import pallas as pl
from jax.experimental.pallas import tpu as pltpu
from jax.experimental.pallas import tpu_sc as plsc

EMBED_DIM = 5120
NUM_ROWS = 4096 * 20
NUM_CORES = 2
NUM_SUBCORES = 16
NUM_WORKERS = NUM_CORES * NUM_SUBCORES
ROWS_PER_WORKER = NUM_ROWS // NUM_WORKERS
CHUNK = 8
NBUF = 3
NUM_CHUNKS = ROWS_PER_WORKER // CHUNK

_mesh = plsc.VectorSubcoreMesh(core_axis_name="c", subcore_axis_name="s")


@functools.partial(
    pl.kernel,
    mesh=_mesh,
    out_type=jax.ShapeDtypeStruct((NUM_ROWS, EMBED_DIM), jnp.float32),
    scratch_types=[
        pltpu.VMEM((ROWS_PER_WORKER,), jnp.int32),
        pltpu.VMEM((NBUF, CHUNK, EMBED_DIM), jnp.float32),
        pltpu.SemaphoreType.DMA((NBUF,)),
        pltpu.SemaphoreType.DMA((NBUF,)),
    ],
)
def _gather_rows(table_hbm, idx_hbm, out_hbm, idx_v, rows_v, gsem, ssem):
    wid = lax.axis_index("s") * NUM_CORES + lax.axis_index("c")
    base = wid * ROWS_PER_WORKER
    pltpu.sync_copy(idx_hbm.at[pl.ds(base, ROWS_PER_WORKER)], idx_v)

    def gather(g, b):
        return pltpu.make_async_copy(
            table_hbm.at[idx_v.at[pl.ds(g * CHUNK, CHUNK)]],
            rows_v.at[b],
            gsem.at[b],
        )

    def scatter(g, b):
        return pltpu.make_async_copy(
            rows_v.at[b],
            out_hbm.at[pl.ds(base + g * CHUNK, CHUNK)],
            ssem.at[b],
        )

    for b in range(NBUF):
        gather(b, b).start()

    def outer(i, carry):
        for k in range(NBUF):
            g = i * NBUF + k

            @pl.when(g < NUM_CHUNKS)
            def _():
                gather(g, k).wait()
                scatter(g, k).start()

            prev = g - (NBUF - 1)
            kp = (k + 1) % NBUF

            @pl.when((prev >= 0) & (prev < NUM_CHUNKS))
            def _():
                scatter(prev, kp).wait()

                @pl.when(prev + NBUF < NUM_CHUNKS)
                def _():
                    gather(prev + NBUF, kp).start()

        return carry

    n_outer = (NUM_CHUNKS + NBUF) // NBUF
    lax.fori_loop(0, n_outer, outer, 0)
    scatter(NUM_CHUNKS - 1, (NUM_CHUNKS - 1) % NBUF).wait()


def kernel(x, table):
    n, m = x.shape
    idx = x.T.reshape(-1)
    out = _gather_rows(table, idx)
    return out.reshape(m, n, table.shape[1]).transpose(1, 0, 2)

# --- scband reference (transcript-rebuilt; emitter-appended) ---
"""Pipeline reference for scband-embedding-67276367724928 (READ-ONLY COPY).

The authoritative reference and input builder live on the scoring server;
editing this copy changes nothing except your own understanding.
"""

import jax, jax.numpy as jnp
import numpy as np

VOCAB = 100000
EMBED_DIM = 5120

def setup_inputs(seed: int = 0) -> dict:
    key = jax.random.key(seed)
    k1, k2 = jax.random.split(key)
    x = jax.random.randint(k1, (4096, 20), 0, VOCAB, dtype=jnp.int32)
    table = jax.random.normal(k2, (VOCAB, EMBED_DIM), dtype=jnp.float32)
    return {"x": x, "table": table}

def reference(x, table):
    # nn.Embedding forward: row gather from the table
    return jnp.take(table, x, axis=0)

if __name__ == "__main__":
    import jax
    _d = setup_inputs()
    print(jax.jit(kernel)(*tuple(_d.values())))

</pallas_src>

<mosaic_0001>
#map = affine_map<(d0, d1) -> (0, 0)>
#map1 = affine_map<(d0, d1) -> (0)>
module attributes {stable_mosaic.version = 14 : i64} {
  func.func @_gather_rows(%arg0: i32, %arg1: i32, %arg2: memref<100000x5120xf32, #tpu.memory_space<hbm>>, %arg3: memref<81920xi32, #tpu.memory_space<hbm>>, %arg4: memref<81920x5120xf32, #tpu.memory_space<hbm>>, %arg5: memref<2560xi32, #tpu.memory_space<vmem>>, %arg6: memref<3x8x5120xf32, #tpu.memory_space<vmem>>, %arg7: memref<3x!tpu.dma_semaphore, #tpu.memory_space<semaphore_mem>>, %arg8: memref<3x!tpu.dma_semaphore, #tpu.memory_space<semaphore_mem>>) attributes {dimension_semantics = [#tpu.dimension_semantics<core_parallel>, #tpu.dimension_semantics<subcore_parallel>], iteration_bounds = array<i64: 2, 16>, scalar_prefetch = 0 : i64, scratch_operands = 4 : i64, tpu.core_type = #tpu.core_type<sc_vector_subcore>, window_params = [{transform_indices = #map}, {transform_indices = #map1}, {transform_indices = #map}]} {
    %mul3A = arith.constant 2 : i32
    %mul3A_0 = arith.muli %arg1, %mul3A : i32
    %add3A = arith.addi %mul3A_0, %arg0 : i32
    %mul3A_1 = arith.constant 2560 : i32
    %mul3A_2 = arith.muli %add3A, %mul3A_1 : i32
    "tpu.region"() ({
      %run_scoped3A = tpu.sem_alloc : memref<!tpu.dma_semaphore, #tpu.memory_space<semaphore_mem>>
      %dma_start3A_63 = tpu.memref_slice %arg3[%mul3A_2] : memref<81920xi32, #tpu.memory_space<hbm>> -> memref<2560xi32, #tpu.memory_space<hbm>>
      %dma_start3A_64 = tpu.memref_slice %arg3[%mul3A_2] : memref<81920xi32, #tpu.memory_space<hbm>> -> memref<2560xi32, #tpu.memory_space<hbm>>
      tpu.enqueue_dma source(%dma_start3A_64 : memref<2560xi32, #tpu.memory_space<hbm>>) target(%arg5 : memref<2560xi32, #tpu.memory_space<vmem>>) target_semaphore(%run_scoped3A : memref<!tpu.dma_semaphore, #tpu.memory_space<semaphore_mem>>)
      %dma_wait3A_65 = tpu.memref_slice %arg3[%mul3A_2] : memref<81920xi32, #tpu.memory_space<hbm>> -> memref<2560xi32, #tpu.memory_space<hbm>>
      %dma_wait3A_66 = tpu.memref_slice %arg3[%mul3A_2] : memref<81920xi32, #tpu.memory_space<hbm>> -> memref<2560xi32, #tpu.memory_space<hbm>>
      tpu.wait_dma2 semaphore(%run_scoped3A : memref<!tpu.dma_semaphore, #tpu.memory_space<semaphore_mem>>) src(%dma_wait3A_66 : memref<2560xi32, #tpu.memory_space<hbm>>) dst(%arg5 : memref<2560xi32, #tpu.memory_space<vmem>>)
      tpu.yield
    }) : () -> ()
    %dma_start3A = arith.constant 0 : i32
    %dma_start3A_3 = arith.constant 0 : i32
    %dma_start3A_4 = arith.constant 0 : i32
    %dma_start3A_5 = arith.constant 0 : i32
    %dma_start3A_6 = tpu.memref_slice %arg6[%dma_start3A, %dma_start3A_4, %dma_start3A_5] : memref<3x8x5120xf32, #tpu.memory_space<vmem>> -> memref<1x8x5120xf32, #tpu.memory_space<vmem>>
    %dma_start3A_7 = tpu.memref_squeeze %dma_start3A_6 : memref<1x8x5120xf32, #tpu.memory_space<vmem>> -> memref<8x5120xf32, #tpu.memory_space<vmem>>
    %dma_start3A_8 = arith.constant 0 : i32
    %dma_start3A_9 = tpu.memref_slice %arg5[%dma_start3A_8] : memref<2560xi32, #tpu.memory_space<vmem>> -> memref<8xi32, #tpu.memory_space<vmem>>
    %dma_start3A_10 = arith.constant 0 : i32
    %dma_start3A_11 = arith.constant 0 : i32
    %dma_start3A_12 = tpu.memref_slice %arg2[%dma_start3A_10, %dma_start3A_11] : memref<100000x5120xf32, #tpu.memory_space<hbm>> -> memref<100000x5120xf32, #tpu.memory_space<hbm>>
    %dma_start3A_13 = tpu.memref_slice %arg7[%dma_start3A_3] : memref<3x!tpu.dma_semaphore, #tpu.memory_space<semaphore_mem>> -> memref<1x!tpu.dma_semaphore, #tpu.memory_space<semaphore_mem>>
    %dma_start3A_14 = tpu.memref_squeeze %dma_start3A_13 : memref<1x!tpu.dma_semaphore, #tpu.memory_space<semaphore_mem>> -> memref<!tpu.dma_semaphore, #tpu.memory_space<semaphore_mem>>
    tpu.enqueue_indirect_dma source(%dma_start3A_12 : memref<100000x5120xf32, #tpu.memory_space<hbm>>) target(%dma_start3A_7 : memref<8x5120xf32, #tpu.memory_space<vmem>>) offsets(%dma_start3A_9 : memref<8xi32, #tpu.memory_space<vmem>>) semaphore(%dma_start3A_14 : memref<!tpu.dma_semaphore, #tpu.memory_space<semaphore_mem>>)
    %dma_start3A_15 = arith.constant 1 : i32
    %dma_start3A_16 = arith.constant 1 : i32
    %dma_start3A_17 = arith.constant 0 : i32
    %dma_start3A_18 = arith.constant 0 : i32
    %dma_start3A_19 = tpu.memref_slice %arg6[%dma_start3A_15, %dma_start3A_17, %dma_start3A_18] : memref<3x8x5120xf32, #tpu.memory_space<vmem>> -> memref<1x8x5120xf32, #tpu.memory_space<vmem>>
    %dma_start3A_20 = tpu.memref_squeeze %dma_start3A_19 : memref<1x8x5120xf32, #tpu.memory_space<vmem>> -> memref<8x5120xf32, #tpu.memory_space<vmem>>
    %dma_start3A_21 = arith.constant 8 : i32
    %dma_start3A_22 = tpu.memref_slice %arg5[%dma_start3A_21] : memref<2560xi32, #tpu.memory_space<vmem>> -> memref<8xi32, #tpu.memory_space<vmem>>
    %dma_start3A_23 = arith.constant 0 : i32
    %dma_start3A_24 = arith.constant 0 : i32
    %dma_start3A_25 = tpu.memref_slice %arg2[%dma_start3A_23, %dma_start3A_24] : memref<100000x5120xf32, #tpu.memory_space<hbm>> -> memref<100000x5120xf32, #tpu.memory_space<hbm>>
    %dma_start3A_26 = tpu.memref_slice %arg7[%dma_start3A_16] : memref<3x!tpu.dma_semaphore, #tpu.memory_space<semaphore_mem>> -> memref<1x!tpu.dma_semaphore, #tpu.memory_space<semaphore_mem>>
    %dma_start3A_27 = tpu.memref_squeeze %dma_start3A_26 : memref<1x!tpu.dma_semaphore, #tpu.memory_space<semaphore_mem>> -> memref<!tpu.dma_semaphore, #tpu.memory_space<semaphore_mem>>
    tpu.enqueue_indirect_dma source(%dma_start3A_25 : memref<100000x5120xf32, #tpu.memory_space<hbm>>) target(%dma_start3A_20 : memref<8x5120xf32, #tpu.memory_space<vmem>>) offsets(%dma_start3A_22 : memref<8xi32, #tpu.memory_space<vmem>>) semaphore(%dma_start3A_27 : memref<!tpu.dma_semaphore, #tpu.memory_space<semaphore_mem>>)
    %dma_start3A_28 = arith.constant 2 : i32
    %dma_start3A_29 = arith.constant 2 : i32
    %dma_start3A_30 = arith.constant 0 : i32
    %dma_start3A_31 = arith.constant 0 : i32
    %dma_start3A_32 = tpu.memref_slice %arg6[%dma_start3A_28, %dma_start3A_30, %dma_start3A_31] : memref<3x8x5120xf32, #tpu.memory_space<vmem>> -> memref<1x8x5120xf32, #tpu.memory_space<vmem>>
    %dma_start3A_33 = tpu.memref_squeeze %dma_start3A_32 : memref<1x8x5120xf32, #tpu.memory_space<vmem>> -> memref<8x5120xf32, #tpu.memory_space<vmem>>
    %dma_start3A_34 = arith.constant 16 : i32
    %dma_start3A_35 = tpu.memref_slice %arg5[%dma_start3A_34] : memref<2560xi32, #tpu.memory_space<vmem>> -> memref<8xi32, #tpu.memory_space<vmem>>
    %dma_start3A_36 = arith.constant 0 : i32
    %dma_start3A_37 = arith.constant 0 : i32
    %dma_start3A_38 = tpu.memref_slice %arg2[%dma_start3A_36, %dma_start3A_37] : memref<100000x5120xf32, #tpu.memory_space<hbm>> -> memref<100000x5120xf32, #tpu.memory_space<hbm>>
    %dma_start3A_39 = tpu.memref_slice %arg7[%dma_start3A_29] : memref<3x!tpu.dma_semaphore, #tpu.memory_space<semaphore_mem>> -> memref<1x!tpu.dma_semaphore, #tpu.memory_space<semaphore_mem>>
    %dma_start3A_40 = tpu.memref_squeeze %dma_start3A_39 : memref<1x!tpu.dma_semaphore, #tpu.memory_space<semaphore_mem>> -> memref<!tpu.dma_semaphore, #tpu.memory_space<semaphore_mem>>
    tpu.enqueue_indirect_dma source(%dma_start3A_38 : memref<100000x5120xf32, #tpu.memory_space<hbm>>) target(%dma_start3A_33 : memref<8x5120xf32, #tpu.memory_space<vmem>>) offsets(%dma_start3A_35 : memref<8xi32, #tpu.memory_space<vmem>>) semaphore(%dma_start3A_40 : memref<!tpu.dma_semaphore, #tpu.memory_space<semaphore_mem>>)
    %scan3A = arith.constant 0 : i32
    %scan3A_41 = arith.constant 0 : i32
    %scan3A_42 = arith.constant 107 : i32
    %scan3A_43 = arith.addi %scan3A_41, %scan3A_42 : i32
    %scan3A_44 = arith.constant 1 : i32
    scf.for %scan3A_63 = %scan3A_41 to %scan3A_43 step %scan3A_44  : i32 {
      %mul3A_64 = arith.constant 3 : i32
      %mul3A_65 = arith.muli %scan3A_63, %mul3A_64 : i32
      %add3A_66 = arith.constant 0 : i32
      %add3A_67 = arith.addi %mul3A_65, %add3A_66 : i32
      %lt3A = arith.constant 320 : i32
      %lt3A_68 = arith.cmpi slt, %add3A_67, %lt3A : i32
      %convert_element_type3A = arith.extui %lt3A_68 : i1 to i32
      %cond3A = arith.constant 0 : i32
      %cond3A_69 = arith.cmpi ne, %convert_element_type3A, %cond3A : i32
      scf.if %cond3A_69 {
        %mul3A_115 = arith.constant 8 : i32
        %mul3A_116 = arith.muli %add3A_67, %mul3A_115 : i32
        %dma_wait3A_117 = arith.constant 0 : i32
        %dma_wait3A_118 = arith.constant 0 : i32
        %dma_wait3A_119 = arith.constant 0 : i32
        %dma_wait3A_120 = arith.constant 0 : i32
        %dma_wait3A_121 = tpu.memref_slice %arg6[%dma_wait3A_117, %dma_wait3A_119, %dma_wait3A_120] : memref<3x8x5120xf32, #tpu.memory_space<vmem>> -> memref<1x8x5120xf32, #tpu.memory_space<vmem>>
        %dma_wait3A_122 = tpu.memref_squeeze %dma_wait3A_121 : memref<1x8x5120xf32, #tpu.memory_space<vmem>> -> memref<8x5120xf32, #tpu.memory_space<vmem>>
        %dma_wait3A_123 = tpu.memref_slice %arg5[%mul3A_116] : memref<2560xi32, #tpu.memory_space<vmem>> -> memref<8xi32, #tpu.memory_space<vmem>>
        %dma_wait3A_124 = arith.constant 0 : i32
        %dma_wait3A_125 = arith.constant 0 : i32
        %dma_wait3A_126 = tpu.memref_slice %arg2[%dma_wait3A_124, %dma_wait3A_125] : memref<100000x5120xf32, #tpu.memory_space<hbm>> -> memref<100000x5120xf32, #tpu.memory_space<hbm>>
        %dma_wait3A_127 = tpu.memref_slice %arg7[%dma_wait3A_118] : memref<3x!tpu.dma_semaphore, #tpu.memory_space<semaphore_mem>> -> memref<1x!tpu.dma_semaphore, #tpu.memory_space<semaphore_mem>>
        %dma_wait3A_128 = tpu.memref_squeeze %dma_wait3A_127 : memref<1x!tpu.dma_semaphore, #tpu.memory_space<semaphore_mem>> -> memref<!tpu.dma_semaphore, #tpu.memory_space<semaphore_mem>>
        tpu.wait_indirect_dma semaphore(%dma_wait3A_128 : memref<!tpu.dma_semaphore, #tpu.memory_space<semaphore_mem>>) src(%dma_wait3A_126 : memref<100000x5120xf32, #tpu.memory_space<hbm>>) dst(%dma_wait3A_122 : memref<8x5120xf32, #tpu.memory_space<vmem>>)
        %mul3A_129 = arith.constant 8 : i32
        %mul3A_130 = arith.muli %add3A_67, %mul3A_129 : i32
        %add3A_131 = arith.addi %mul3A_2, %mul3A_130 : i32
        %dma_start3A_132 = arith.constant 0 : i32
        %dma_start3A_133 = arith.constant 0 : i32
        %dma_start3A_134 = arith.constant 0 : i32
        %dma_start3A_135 = arith.constant 0 : i32
        %dma_start3A_136 = tpu.memref_slice %arg6[%dma_start3A_132, %dma_start3A_134, %dma_start3A_135] : memref<3x8x5120xf32, #tpu.memory_space<vmem>> -> memref<1x8x5120xf32, #tpu.memory_space<vmem>>
        %dma_start3A_137 = tpu.memref_squeeze %dma_start3A_136 : memref<1x8x5120xf32, #tpu.memory_space<vmem>> -> memref<8x5120xf32, #tpu.memory_space<vmem>>
        %dma_start3A_138 = arith.constant 0 : i32
        %dma_start3A_139 = tpu.memref_slice %arg4[%add3A_131, %dma_start3A_138] : memref<81920x5120xf32, #tpu.memory_space<hbm>> -> memref<8x5120xf32, #tpu.memory_space<hbm>>
        %dma_start3A_140 = tpu.memref_slice %arg8[%dma_start3A_133] : memref<3x!tpu.dma_semaphore, #tpu.memory_space<semaphore_mem>> -> memref<1x!tpu.dma_semaphore, #tpu.memory_space<semaphore_mem>>
        %dma_start3A_141 = tpu.memref_squeeze %dma_start3A_140 : memref<1x!tpu.dma_semaphore, #tpu.memory_space<semaphore_mem>> -> memref<!tpu.dma_semaphore, #tpu.memory_space<semaphore_mem>>
        %dma_start3A_142 = arith.constant 0 : i32
        %dma_start3A_143 = tpu.memref_slice %arg4[%add3A_131, %dma_start3A_142] : memref<81920x5120xf32, #tpu.memory_space<hbm>> -> memref<8x5120xf32, #tpu.memory_space<hbm>>
        %dma_start3A_144 = arith.constant 0 : i32
        %dma_start3A_145 = arith.constant 0 : i32
        %dma_start3A_146 = tpu.memref_slice %arg6[%dma_start3A_132, %dma_start3A_144, %dma_start3A_145] : memref<3x8x5120xf32, #tpu.memory_space<vmem>> -> memref<1x8x5120xf32, #tpu.memory_space<vmem>>
        %dma_start3A_147 = tpu.memref_squeeze %dma_start3A_146 : memref<1x8x5120xf32, #tpu.memory_space<vmem>> -> memref<8x5120xf32, #tpu.memory_space<vmem>>
        tpu.enqueue_dma source(%dma_start3A_147 : memref<8x5120xf32, #tpu.memory_space<vmem>>) target(%dma_start3A_143 : memref<8x5120xf32, #tpu.memory_space<hbm>>) target_semaphore(%dma_start3A_141 : memref<!tpu.dma_semaphore, #tpu.memory_space<semaphore_mem>>)
      } else {
      }
      %sub3A = arith.constant 2 : i32
      %sub3A_70 = arith.subi %add3A_67, %sub3A : i32
      %ge3A = arith.constant 0 : i32
      %ge3A_71 = arith.cmpi sge, %sub3A_70, %ge3A : i32
      %lt3A_72 = arith.constant 320 : i32
      %lt3A_73 = arith.cmpi slt, %sub3A_70, %lt3A_72 : i32
      %and3A = arith.andi %ge3A_71, %lt3A_73 : i1
      %convert_element_type3A_74 = arith.extui %and3A : i1 to i32
      %cond3A_75 = arith.constant 0 : i32
      %cond3A_76 = arith.cmpi ne, %convert_element_type3A_74, %cond3A_75 : i32
      scf.if %cond3A_76 {
        %mul3A_115 = arith.constant 8 : i32
        %mul3A_116 = arith.muli %sub3A_70, %mul3A_115 : i32
        %add3A_117 = arith.addi %mul3A_2, %mul3A_116 : i32
        %dma_wait3A_118 = arith.constant 1 : i32
        %dma_wait3A_119 = arith.constant 1 : i32
        %dma_wait3A_120 = arith.constant 0 : i32
        %dma_wait3A_121 = arith.constant 0 : i32
        %dma_wait3A_122 = tpu.memref_slice %arg6[%dma_wait3A_118, %dma_wait3A_120, %dma_wait3A_121] : memref<3x8x5120xf32, #tpu.memory_space<vmem>> -> memref<1x8x5120xf32, #tpu.memory_space<vmem>>
        %dma_wait3A_123 = tpu.memref_squeeze %dma_wait3A_122 : memref<1x8x5120xf32, #tpu.memory_space<vmem>> -> memref<8x5120xf32, #tpu.memory_space<vmem>>
        %dma_wait3A_124 = arith.constant 0 : i32
        %dma_wait3A_125 = tpu.memref_slice %arg4[%add3A_117, %dma_wait3A_124] : memref<81920x5120xf32, #tpu.memory_space<hbm>> -> memref<8x5120xf32, #tpu.memory_space<hbm>>
        %dma_wait3A_126 = tpu.memref_slice %arg8[%dma_wait3A_119] : memref<3x!tpu.dma_semaphore, #tpu.memory_space<semaphore_mem>> -> memref<1x!tpu.dma_semaphore, #tpu.memory_space<semaphore_mem>>
        %dma_wait3A_127 = tpu.memref_squeeze %dma_wait3A_126 : memref<1x!tpu.dma_semaphore, #tpu.memory_space<semaphore_mem>> -> memref<!tpu.dma_semaphore, #tpu.memory_space<semaphore_mem>>
        %dma_wait3A_128 = arith.constant 0 : i32
        %dma_wait3A_129 = tpu.memref_slice %arg4[%add3A_117, %dma_wait3A_128] : memref<81920x5120xf32, #tpu.memory_space<hbm>> -> memref<8x5120xf32, #tpu.memory_space<hbm>>
        %dma_wait3A_130 = arith.constant 0 : i32
        %dma_wait3A_131 = arith.constant 0 : i32
        %dma_wait3A_132 = tpu.memref_slice %arg6[%dma_wait3A_118, %dma_wait3A_130, %dma_wait3A_131] : memref<3x8x5120xf32, #tpu.memory_space<vmem>> -> memref<1x8x5120xf32, #tpu.memory_space<vmem>>
        %dma_wait3A_133 = tpu.memref_squeeze %dma_wait3A_132 : memref<1x8x5120xf32, #tpu.memory_space<vmem>> -> memref<8x5120xf32, #tpu.memory_space<vmem>>
        tpu.wait_dma2 semaphore(%dma_wait3A_127 : memref<!tpu.dma_semaphore, #tpu.memory_space<semaphore_mem>>) src(%dma_wait3A_133 : memref<8x5120xf32, #tpu.memory_space<vmem>>) dst(%dma_wait3A_129 : memref<8x5120xf32, #tpu.memory_space<hbm>>)
        %add3A_134 = arith.constant 3 : i32
        %add3A_135 = arith.addi %sub3A_70, %add3A_134 : i32
        %lt3A_136 = arith.constant 320 : i32
        %lt3A_137 = arith.cmpi slt, %add3A_135, %lt3A_136 : i32
        %convert_element_type3A_138 = arith.extui %lt3A_137 : i1 to i32
        %cond3A_139 = arith.constant 0 : i32
        %cond3A_140 = arith.cmpi ne, %convert_element_type3A_138, %cond3A_139 : i32
        scf.if %cond3A_140 {
          %add3A_141 = arith.constant 3 : i32
          %add3A_142 = arith.addi %sub3A_70, %add3A_141 : i32
          %mul3A_143 = arith.constant 8 : i32
          %mul3A_144 = arith.muli %add3A_142, %mul3A_143 : i32
          %dma_start3A_145 = arith.constant 1 : i32
          %dma_start3A_146 = arith.constant 1 : i32
          %dma_start3A_147 = arith.constant 0 : i32
          %dma_start3A_148 = arith.constant 0 : i32
          %dma_start3A_149 = tpu.memref_slice %arg6[%dma_start3A_145, %dma_start3A_147, %dma_start3A_148] : memref<3x8x5120xf32, #tpu.memory_space<vmem>> -> memref<1x8x5120xf32, #tpu.memory_space<vmem>>
          %dma_start3A_150 = tpu.memref_squeeze %dma_start3A_149 : memref<1x8x5120xf32, #tpu.memory_space<vmem>> -> memref<8x5120xf32, #tpu.memory_space<vmem>>
          %dma_start3A_151 = tpu.memref_slice %arg5[%mul3A_144] : memref<2560xi32, #tpu.memory_space<vmem>> -> memref<8xi32, #tpu.memory_space<vmem>>
          %dma_start3A_152 = arith.constant 0 : i32
          %dma_start3A_153 = arith.constant 0 : i32
          %dma_start3A_154 = tpu.memref_slice %arg2[%dma_start3A_152, %dma_start3A_153] : memref<100000x5120xf32, #tpu.memory_space<hbm>> -> memref<100000x5120xf32, #tpu.memory_space<hbm>>
          %dma_start3A_155 = tpu.memref_slice %arg7[%dma_start3A_146] : memref<3x!tpu.dma_semaphore, #tpu.memory_space<semaphore_mem>> -> memref<1x!tpu.dma_semaphore, #tpu.memory_space<semaphore_mem>>
          %dma_start3A_156 = tpu.memref_squeeze %dma_start3A_155 : memref<1x!tpu.dma_semaphore, #tpu.memory_space<semaphore_mem>> -> memref<!tpu.dma_semaphore, #tpu.memory_space<semaphore_mem>>
          tpu.enqueue_indirect_dma source(%dma_start3A_154 : memref<100000x5120xf32, #tpu.memory_space<hbm>>) target(%dma_start3A_150 : memref<8x5120xf32, #tpu.memory_space<vmem>>) offsets(%dma_start3A_151 : memref<8xi32, #tpu.memory_space<vmem>>) semaphore(%dma_start3A_156 : memref<!tpu.dma_semaphore, #tpu.memory_space<semaphore_mem>>)
        } else {
        }
      } else {
      }
      %mul3A_77 = arith.constant 3 : i32
      %mul3A_78 = arith.muli %scan3A_63, %mul3A_77 : i32
      %add3A_79 = arith.constant 1 : i32
      %add3A_80 = arith.addi %mul3A_78, %add3A_79 : i32
      %lt3A_81 = arith.constant 320 : i32
      %lt3A_82 = arith.cmpi slt, %add3A_80, %lt3A_81 : i32
      %convert_element_type3A_83 = arith.extui %lt3A_82 : i1 to i32
      %cond3A_84 = arith.constant 0 : i32
      %cond3A_85 = arith.cmpi ne, %convert_element_type3A_83, %cond3A_84 : i32
      scf.if %cond3A_85 {
        %mul3A_115 = arith.constant 8 : i32
        %mul3A_116 = arith.muli %add3A_80, %mul3A_115 : i32
        %dma_wait3A_117 = arith.constant 1 : i32
        %dma_wait3A_118 = arith.constant 1 : i32
        %dma_wait3A_119 = arith.constant 0 : i32
        %dma_wait3A_120 = arith.constant 0 : i32
        %dma_wait3A_121 = tpu.memref_slice %arg6[%dma_wait3A_117, %dma_wait3A_119, %dma_wait3A_120] : memref<3x8x5120xf32, #tpu.memory_space<vmem>> -> memref<1x8x5120xf32, #tpu.memory_space<vmem>>
        %dma_wait3A_122 = tpu.memref_squeeze %dma_wait3A_121 : memref<1x8x5120xf32, #tpu.memory_space<vmem>> -> memref<8x5120xf32, #tpu.memory_space<vmem>>
        %dma_wait3A_123 = tpu.memref_slice %arg5[%mul3A_116] : memref<2560xi32, #tpu.memory_space<vmem>> -> memref<8xi32, #tpu.memory_space<vmem>>
        %dma_wait3A_124 = arith.constant 0 : i32
        %dma_wait3A_125 = arith.constant 0 : i32
        %dma_wait3A_126 = tpu.memref_slice %arg2[%dma_wait3A_124, %dma_wait3A_125] : memref<100000x5120xf32, #tpu.memory_space<hbm>> -> memref<100000x5120xf32, #tpu.memory_space<hbm>>
        %dma_wait3A_127 = tpu.memref_slice %arg7[%dma_wait3A_118] : memref<3x!tpu.dma_semaphore, #tpu.memory_space<semaphore_mem>> -> memref<1x!tpu.dma_semaphore, #tpu.memory_space<semaphore_mem>>
        %dma_wait3A_128 = tpu.memref_squeeze %dma_wait3A_127 : memref<1x!tpu.dma_semaphore, #tpu.memory_space<semaphore_mem>> -> memref<!tpu.dma_semaphore, #tpu.memory_space<semaphore_mem>>
        tpu.wait_indirect_dma semaphore(%dma_wait3A_128 : memref<!tpu.dma_semaphore, #tpu.memory_space<semaphore_mem>>) src(%dma_wait3A_126 : memref<100000x5120xf32, #tpu.memory_space<hbm>>) dst(%dma_wait3A_122 : memref<8x5120xf32, #tpu.memory_space<vmem>>)
        %mul3A_129 = arith.constant 8 : i32
        %mul3A_130 = arith.muli %add3A_80, %mul3A_129 : i32
        %add3A_131 = arith.addi %mul3A_2, %mul3A_130 : i32
        %dma_start3A_132 = arith.constant 1 : i32
        %dma_start3A_133 = arith.constant 1 : i32
        %dma_start3A_134 = arith.constant 0 : i32
        %dma_start3A_135 = arith.constant 0 : i32
        %dma_start3A_136 = tpu.memref_slice %arg6[%dma_start3A_132, %dma_start3A_134, %dma_start3A_135] : memref<3x8x5120xf32, #tpu.memory_space<vmem>> -> memref<1x8x5120xf32, #tpu.memory_space<vmem>>
        %dma_start3A_137 = tpu.memref_squeeze %dma_start3A_136 : memref<1x8x5120xf32, #tpu.memory_space<vmem>> -> memref<8x5120xf32, #tpu.memory_space<vmem>>
        %dma_start3A_138 = arith.constant 0 : i32
        %dma_start3A_139 = tpu.memref_slice %arg4[%add3A_131, %dma_start3A_138] : memref<81920x5120xf32, #tpu.memory_space<hbm>> -> memref<8x5120xf32, #tpu.memory_space<hbm>>
        %dma_start3A_140 = tpu.memref_slice %arg8[%dma_start3A_133] : memref<3x!tpu.dma_semaphore, #tpu.memory_space<semaphore_mem>> -> memref<1x!tpu.dma_semaphore, #tpu.memory_space<semaphore_mem>>
        %dma_start3A_141 = tpu.memref_squeeze %dma_start3A_140 : memref<1x!tpu.dma_semaphore, #tpu.memory_space<semaphore_mem>> -> memref<!tpu.dma_semaphore, #tpu.memory_space<semaphore_mem>>
        %dma_start3A_142 = arith.constant 0 : i32
        %dma_start3A_143 = tpu.memref_slice %arg4[%add3A_131, %dma_start3A_142] : memref<81920x5120xf32, #tpu.memory_space<hbm>> -> memref<8x5120xf32, #tpu.memory_space<hbm>>
        %dma_start3A_144 = arith.constant 0 : i32
        %dma_start3A_145 = arith.constant 0 : i32
        %dma_start3A_146 = tpu.memref_slice %arg6[%dma_start3A_132, %dma_start3A_144, %dma_start3A_145] : memref<3x8x5120xf32, #tpu.memory_space<vmem>> -> memref<1x8x5120xf32, #tpu.memory_space<vmem>>
        %dma_start3A_147 = tpu.memref_squeeze %dma_start3A_146 : memref<1x8x5120xf32, #tpu.memory_space<vmem>> -> memref<8x5120xf32, #tpu.memory_space<vmem>>
        tpu.enqueue_dma source(%dma_start3A_147 : memref<8x5120xf32, #tpu.memory_space<vmem>>) target(%dma_start3A_143 : memref<8x5120xf32, #tpu.memory_space<hbm>>) target_semaphore(%dma_start3A_141 : memref<!tpu.dma_semaphore, #tpu.memory_space<semaphore_mem>>)
      } else {
      }
      %sub3A_86 = arith.constant 2 : i32
      %sub3A_87 = arith.subi %add3A_80, %sub3A_86 : i32
      %ge3A_88 = arith.constant 0 : i32
      %ge3A_89 = arith.cmpi sge, %sub3A_87, %ge3A_88 : i32
      %lt3A_90 = arith.constant 320 : i32
      %lt3A_91 = arith.cmpi slt, %sub3A_87, %lt3A_90 : i32
      %and3A_92 = arith.andi %ge3A_89, %lt3A_91 : i1
      %convert_element_type3A_93 = arith.extui %and3A_92 : i1 to i32
      %cond3A_94 = arith.constant 0 : i32
      %cond3A_95 = arith.cmpi ne, %convert_element_type3A_93, %cond3A_94 : i32
      scf.if %cond3A_95 {
        %mul3A_115 = arith.constant 8 : i32
        %mul3A_116 = arith.muli %sub3A_87, %mul3A_115 : i32
        %add3A_117 = arith.addi %mul3A_2, %mul3A_116 : i32
        %dma_wait3A_118 = arith.constant 2 : i32
        %dma_wait3A_119 = arith.constant 2 : i32
        %dma_wait3A_120 = arith.constant 0 : i32
        %dma_wait3A_121 = arith.constant 0 : i32
        %dma_wait3A_122 = tpu.memref_slice %arg6[%dma_wait3A_118, %dma_wait3A_120, %dma_wait3A_121] : memref<3x8x5120xf32, #tpu.memory_space<vmem>> -> memref<1x8x5120xf32, #tpu.memory_space<vmem>>
        %dma_wait3A_123 = tpu.memref_squeeze %dma_wait3A_122 : memref<1x8x5120xf32, #tpu.memory_space<vmem>> -> memref<8x5120xf32, #tpu.memory_space<vmem>>
        %dma_wait3A_124 = arith.constant 0 : i32
        %dma_wait3A_125 = tpu.memref_slice %arg4[%add3A_117, %dma_wait3A_124] : memref<81920x5120xf32, #tpu.memory_space<hbm>> -> memref<8x5120xf32, #tpu.memory_space<hbm>>
        %dma_wait3A_126 = tpu.memref_slice %arg8[%dma_wait3A_119] : memref<3x!tpu.dma_semaphore, #tpu.memory_space<semaphore_mem>> -> memref<1x!tpu.dma_semaphore, #tpu.memory_space<semaphore_mem>>
        %dma_wait3A_127 = tpu.memref_squeeze %dma_wait3A_126 : memref<1x!tpu.dma_semaphore, #tpu.memory_space<semaphore_mem>> -> memref<!tpu.dma_semaphore, #tpu.memory_space<semaphore_mem>>
        %dma_wait3A_128 = arith.constant 0 : i32
        %dma_wait3A_129 = tpu.memref_slice %arg4[%add3A_117, %dma_wait3A_128] : memref<81920x5120xf32, #tpu.memory_space<hbm>> -> memref<8x5120xf32, #tpu.memory_space<hbm>>
        %dma_wait3A_130 = arith.constant 0 : i32
        %dma_wait3A_131 = arith.constant 0 : i32
        %dma_wait3A_132 = tpu.memref_slice %arg6[%dma_wait3A_118, %dma_wait3A_130, %dma_wait3A_131] : memref<3x8x5120xf32, #tpu.memory_space<vmem>> -> memref<1x8x5120xf32, #tpu.memory_space<vmem>>
        %dma_wait3A_133 = tpu.memref_squeeze %dma_wait3A_132 : memref<1x8x5120xf32, #tpu.memory_space<vmem>> -> memref<8x5120xf32, #tpu.memory_space<vmem>>
        tpu.wait_dma2 semaphore(%dma_wait3A_127 : memref<!tpu.dma_semaphore, #tpu.memory_space<semaphore_mem>>) src(%dma_wait3A_133 : memref<8x5120xf32, #tpu.memory_space<vmem>>) dst(%dma_wait3A_129 : memref<8x5120xf32, #tpu.memory_space<hbm>>)
        %add3A_134 = arith.constant 3 : i32
        %add3A_135 = arith.addi %sub3A_87, %add3A_134 : i32
        %lt3A_136 = arith.constant 320 : i32
        %lt3A_137 = arith.cmpi slt, %add3A_135, %lt3A_136 : i32
        %convert_element_type3A_138 = arith.extui %lt3A_137 : i1 to i32
        %cond3A_139 = arith.constant 0 : i32
        %cond3A_140 = arith.cmpi ne, %convert_element_type3A_138, %cond3A_139 : i32
        scf.if %cond3A_140 {
          %add3A_141 = arith.constant 3 : i32
          %add3A_142 = arith.addi %sub3A_87, %add3A_141 : i32
          %mul3A_143 = arith.constant 8 : i32
          %mul3A_144 = arith.muli %add3A_142, %mul3A_143 : i32
          %dma_start3A_145 = arith.constant 2 : i32
          %dma_start3A_146 = arith.constant 2 : i32
          %dma_start3A_147 = arith.constant 0 : i32
          %dma_start3A_148 = arith.constant 0 : i32
          %dma_start3A_149 = tpu.memref_slice %arg6[%dma_start3A_145, %dma_start3A_147, %dma_start3A_148] : memref<3x8x5120xf32, #tpu.memory_space<vmem>> -> memref<1x8x5120xf32, #tpu.memory_space<vmem>>
          %dma_start3A_150 = tpu.memref_squeeze %dma_start3A_149 : memref<1x8x5120xf32, #tpu.memory_space<vmem>> -> memref<8x5120xf32, #tpu.memory_space<vmem>>
          %dma_start3A_151 = tpu.memref_slice %arg5[%mul3A_144] : memref<2560xi32, #tpu.memory_space<vmem>> -> memref<8xi32, #tpu.memory_space<vmem>>
          %dma_start3A_152 = arith.constant 0 : i32
          %dma_start3A_153 = arith.constant 0 : i32
          %dma_start3A_154 = tpu.memref_slice %arg2[%dma_start3A_152, %dma_start3A_153] : memref<100000x5120xf32, #tpu.memory_space<hbm>> -> memref<100000x5120xf32, #tpu.memory_space<hbm>>
          %dma_start3A_155 = tpu.memref_slice %arg7[%dma_start3A_146] : memref<3x!tpu.dma_semaphore, #tpu.memory_space<semaphore_mem>> -> memref<1x!tpu.dma_semaphore, #tpu.memory_space<semaphore_mem>>
          %dma_start3A_156 = tpu.memref_squeeze %dma_start3A_155 : memref<1x!tpu.dma_semaphore, #tpu.memory_space<semaphore_mem>> -> memref<!tpu.dma_semaphore, #tpu.memory_space<semaphore_mem>>
          tpu.enqueue_indirect_dma source(%dma_start3A_154 : memref<100000x5120xf32, #tpu.memory_space<hbm>>) target(%dma_start3A_150 : memref<8x5120xf32, #tpu.memory_space<vmem>>) offsets(%dma_start3A_151 : memref<8xi32, #tpu.memory_space<vmem>>) semaphore(%dma_start3A_156 : memref<!tpu.dma_semaphore, #tpu.memory_space<semaphore_mem>>)
        } else {
        }
      } else {
      }
      %mul3A_96 = arith.constant 3 : i32
      %mul3A_97 = arith.muli %scan3A_63, %mul3A_96 : i32
      %add3A_98 = arith.constant 2 : i32
      %add3A_99 = arith.addi %mul3A_97, %add3A_98 : i32
      %lt3A_100 = arith.constant 320 : i32
      %lt3A_101 = arith.cmpi slt, %add3A_99, %lt3A_100 : i32
      %convert_element_type3A_102 = arith.extui %lt3A_101 : i1 to i32
      %cond3A_103 = arith.constant 0 : i32
      %cond3A_104 = arith.cmpi ne, %convert_element_type3A_102, %cond3A_103 : i32
      scf.if %cond3A_104 {
        %mul3A_115 = arith.constant 8 : i32
        %mul3A_116 = arith.muli %add3A_99, %mul3A_115 : i32
        %dma_wait3A_117 = arith.constant 2 : i32
        %dma_wait3A_118 = arith.constant 2 : i32
        %dma_wait3A_119 = arith.constant 0 : i32
        %dma_wait3A_120 = arith.constant 0 : i32
        %dma_wait3A_121 = tpu.memref_slice %arg6[%dma_wait3A_117, %dma_wait3A_119, %dma_wait3A_120] : memref<3x8x5120xf32, #tpu.memory_space<vmem>> -> memref<1x8x5120xf32, #tpu.memory_space<vmem>>
        %dma_wait3A_122 = tpu.memref_squeeze %dma_wait3A_121 : memref<1x8x5120xf32, #tpu.memory_space<vmem>> -> memref<8x5120xf32, #tpu.memory_space<vmem>>
        %dma_wait3A_123 = tpu.memref_slice %arg5[%mul3A_116] : memref<2560xi32, #tpu.memory_space<vmem>> -> memref<8xi32, #tpu.memory_space<vmem>>
        %dma_wait3A_124 = arith.constant 0 : i32
        %dma_wait3A_125 = arith.constant 0 : i32
        %dma_wait3A_126 = tpu.memref_slice %arg2[%dma_wait3A_124, %dma_wait3A_125] : memref<100000x5120xf32, #tpu.memory_space<hbm>> -> memref<100000x5120xf32, #tpu.memory_space<hbm>>
        %dma_wait3A_127 = tpu.memref_slice %arg7[%dma_wait3A_118] : memref<3x!tpu.dma_semaphore, #tpu.memory_space<semaphore_mem>> -> memref<1x!tpu.dma_semaphore, #tpu.memory_space<semaphore_mem>>
        %dma_wait3A_128 = tpu.memref_squeeze %dma_wait3A_127 : memref<1x!tpu.dma_semaphore, #tpu.memory_space<semaphore_mem>> -> memref<!tpu.dma_semaphore, #tpu.memory_space<semaphore_mem>>
        tpu.wait_indirect_dma semaphore(%dma_wait3A_128 : memref<!tpu.dma_semaphore, #tpu.memory_space<semaphore_mem>>) src(%dma_wait3A_126 : memref<100000x5120xf32, #tpu.memory_space<hbm>>) dst(%dma_wait3A_122 : memref<8x5120xf32, #tpu.memory_space<vmem>>)
        %mul3A_129 = arith.constant 8 : i32
        %mul3A_130 = arith.muli %add3A_99, %mul3A_129 : i32
        %add3A_131 = arith.addi %mul3A_2, %mul3A_130 : i32
        %dma_start3A_132 = arith.constant 2 : i32
        %dma_start3A_133 = arith.constant 2 : i32
        %dma_start3A_134 = arith.constant 0 : i32
        %dma_start3A_135 = arith.constant 0 : i32
        %dma_start3A_136 = tpu.memref_slice %arg6[%dma_start3A_132, %dma_start3A_134, %dma_start3A_135] : memref<3x8x5120xf32, #tpu.memory_space<vmem>> -> memref<1x8x5120xf32, #tpu.memory_space<vmem>>
        %dma_start3A_137 = tpu.memref_squeeze %dma_start3A_136 : memref<1x8x5120xf32, #tpu.memory_space<vmem>> -> memref<8x5120xf32, #tpu.memory_space<vmem>>
        %dma_start3A_138 = arith.constant 0 : i32
        %dma_start3A_139 = tpu.memref_slice %arg4[%add3A_131, %dma_start3A_138] : memref<81920x5120xf32, #tpu.memory_space<hbm>> -> memref<8x5120xf32, #tpu.memory_space<hbm>>
        %dma_start3A_140 = tpu.memref_slice %arg8[%dma_start3A_133] : memref<3x!tpu.dma_semaphore, #tpu.memory_space<semaphore_mem>> -> memref<1x!tpu.dma_semaphore, #tpu.memory_space<semaphore_mem>>
        %dma_start3A_141 = tpu.memref_squeeze %dma_start3A_140 : memref<1x!tpu.dma_semaphore, #tpu.memory_space<semaphore_mem>> -> memref<!tpu.dma_semaphore, #tpu.memory_space<semaphore_mem>>
        %dma_start3A_142 = arith.constant 0 : i32
        %dma_start3A_143 = tpu.memref_slice %arg4[%add3A_131, %dma_start3A_142] : memref<81920x5120xf32, #tpu.memory_space<hbm>> -> memref<8x5120xf32, #tpu.memory_space<hbm>>
        %dma_start3A_144 = arith.constant 0 : i32
        %dma_start3A_145 = arith.constant 0 : i32
        %dma_start3A_146 = tpu.memref_slice %arg6[%dma_start3A_132, %dma_start3A_144, %dma_start3A_145] : memref<3x8x5120xf32, #tpu.memory_space<vmem>> -> memref<1x8x5120xf32, #tpu.memory_space<vmem>>
        %dma_start3A_147 = tpu.memref_squeeze %dma_start3A_146 : memref<1x8x5120xf32, #tpu.memory_space<vmem>> -> memref<8x5120xf32, #tpu.memory_space<vmem>>
        tpu.enqueue_dma source(%dma_start3A_147 : memref<8x5120xf32, #tpu.memory_space<vmem>>) target(%dma_start3A_143 : memref<8x5120xf32, #tpu.memory_space<hbm>>) target_semaphore(%dma_start3A_141 : memref<!tpu.dma_semaphore, #tpu.memory_space<semaphore_mem>>)
      } else {
      }
      %sub3A_105 = arith.constant 2 : i32
      %sub3A_106 = arith.subi %add3A_99, %sub3A_105 : i32
      %ge3A_107 = arith.constant 0 : i32
      %ge3A_108 = arith.cmpi sge, %sub3A_106, %ge3A_107 : i32
      %lt3A_109 = arith.constant 320 : i32
      %lt3A_110 = arith.cmpi slt, %sub3A_106, %lt3A_109 : i32
      %and3A_111 = arith.andi %ge3A_108, %lt3A_110 : i1
      %convert_element_type3A_112 = arith.extui %and3A_111 : i1 to i32
      %cond3A_113 = arith.constant 0 : i32
      %cond3A_114 = arith.cmpi ne, %convert_element_type3A_112, %cond3A_113 : i32
      scf.if %cond3A_114 {
        %mul3A_115 = arith.constant 8 : i32
        %mul3A_116 = arith.muli %sub3A_106, %mul3A_115 : i32
        %add3A_117 = arith.addi %mul3A_2, %mul3A_116 : i32
        %dma_wait3A_118 = arith.constant 0 : i32
        %dma_wait3A_119 = arith.constant 0 : i32
        %dma_wait3A_120 = arith.constant 0 : i32
        %dma_wait3A_121 = arith.constant 0 : i32
        %dma_wait3A_122 = tpu.memref_slice %arg6[%dma_wait3A_118, %dma_wait3A_120, %dma_wait3A_121] : memref<3x8x5120xf32, #tpu.memory_space<vmem>> -> memref<1x8x5120xf32, #tpu.memory_space<vmem>>
        %dma_wait3A_123 = tpu.memref_squeeze %dma_wait3A_122 : memref<1x8x5120xf32, #tpu.memory_space<vmem>> -> memref<8x5120xf32, #tpu.memory_space<vmem>>
        %dma_wait3A_124 = arith.constant 0 : i32
        %dma_wait3A_125 = tpu.memref_slice %arg4[%add3A_117, %dma_wait3A_124] : memref<81920x5120xf32, #tpu.memory_space<hbm>> -> memref<8x5120xf32, #tpu.memory_space<hbm>>
        %dma_wait3A_126 = tpu.memref_slice %arg8[%dma_wait3A_119] : memref<3x!tpu.dma_semaphore, #tpu.memory_space<semaphore_mem>> -> memref<1x!tpu.dma_semaphore, #tpu.memory_space<semaphore_mem>>
        %dma_wait3A_127 = tpu.memref_squeeze %dma_wait3A_126 : memref<1x!tpu.dma_semaphore, #tpu.memory_space<semaphore_mem>> -> memref<!tpu.dma_semaphore, #tpu.memory_space<semaphore_mem>>
        %dma_wait3A_128 = arith.constant 0 : i32
        %dma_wait3A_129 = tpu.memref_slice %arg4[%add3A_117, %dma_wait3A_128] : memref<81920x5120xf32, #tpu.memory_space<hbm>> -> memref<8x5120xf32, #tpu.memory_space<hbm>>
        %dma_wait3A_130 = arith.constant 0 : i32
        %dma_wait3A_131 = arith.constant 0 : i32
        %dma_wait3A_132 = tpu.memref_slice %arg6[%dma_wait3A_118, %dma_wait3A_130, %dma_wait3A_131] : memref<3x8x5120xf32, #tpu.memory_space<vmem>> -> memref<1x8x5120xf32, #tpu.memory_space<vmem>>
        %dma_wait3A_133 = tpu.memref_squeeze %dma_wait3A_132 : memref<1x8x5120xf32, #tpu.memory_space<vmem>> -> memref<8x5120xf32, #tpu.memory_space<vmem>>
        tpu.wait_dma2 semaphore(%dma_wait3A_127 : memref<!tpu.dma_semaphore, #tpu.memory_space<semaphore_mem>>) src(%dma_wait3A_133 : memref<8x5120xf32, #tpu.memory_space<vmem>>) dst(%dma_wait3A_129 : memref<8x5120xf32, #tpu.memory_space<hbm>>)
        %add3A_134 = arith.constant 3 : i32
        %add3A_135 = arith.addi %sub3A_106, %add3A_134 : i32
        %lt3A_136 = arith.constant 320 : i32
        %lt3A_137 = arith.cmpi slt, %add3A_135, %lt3A_136 : i32
        %convert_element_type3A_138 = arith.extui %lt3A_137 : i1 to i32
        %cond3A_139 = arith.constant 0 : i32
        %cond3A_140 = arith.cmpi ne, %convert_element_type3A_138, %cond3A_139 : i32
        scf.if %cond3A_140 {
          %add3A_141 = arith.constant 3 : i32
          %add3A_142 = arith.addi %sub3A_106, %add3A_141 : i32
          %mul3A_143 = arith.constant 8 : i32
          %mul3A_144 = arith.muli %add3A_142, %mul3A_143 : i32
          %dma_start3A_145 = arith.constant 0 : i32
          %dma_start3A_146 = arith.constant 0 : i32
          %dma_start3A_147 = arith.constant 0 : i32
          %dma_start3A_148 = arith.constant 0 : i32
          %dma_start3A_149 = tpu.memref_slice %arg6[%dma_start3A_145, %dma_start3A_147, %dma_start3A_148] : memref<3x8x5120xf32, #tpu.memory_space<vmem>> -> memref<1x8x5120xf32, #tpu.memory_space<vmem>>
          %dma_start3A_150 = tpu.memref_squeeze %dma_start3A_149 : memref<1x8x5120xf32, #tpu.memory_space<vmem>> -> memref<8x5120xf32, #tpu.memory_space<vmem>>
          %dma_start3A_151 = tpu.memref_slice %arg5[%mul3A_144] : memref<2560xi32, #tpu.memory_space<vmem>> -> memref<8xi32, #tpu.memory_space<vmem>>
          %dma_start3A_152 = arith.constant 0 : i32
          %dma_start3A_153 = arith.constant 0 : i32
          %dma_start3A_154 = tpu.memref_slice %arg2[%dma_start3A_152, %dma_start3A_153] : memref<100000x5120xf32, #tpu.memory_space<hbm>> -> memref<100000x5120xf32, #tpu.memory_space<hbm>>
          %dma_start3A_155 = tpu.memref_slice %arg7[%dma_start3A_146] : memref<3x!tpu.dma_semaphore, #tpu.memory_space<semaphore_mem>> -> memref<1x!tpu.dma_semaphore, #tpu.memory_space<semaphore_mem>>
          %dma_start3A_156 = tpu.memref_squeeze %dma_start3A_155 : memref<1x!tpu.dma_semaphore, #tpu.memory_space<semaphore_mem>> -> memref<!tpu.dma_semaphore, #tpu.memory_space<semaphore_mem>>
          tpu.enqueue_indirect_dma source(%dma_start3A_154 : memref<100000x5120xf32, #tpu.memory_space<hbm>>) target(%dma_start3A_150 : memref<8x5120xf32, #tpu.memory_space<vmem>>) offsets(%dma_start3A_151 : memref<8xi32, #tpu.memory_space<vmem>>) semaphore(%dma_start3A_156 : memref<!tpu.dma_semaphore, #tpu.memory_space<semaphore_mem>>)
        } else {
        }
      } else {
      }
    }
    %scan3A_45 = arith.constant 107 : i32
    %add3A_46 = arith.constant 2552 : i32
    %add3A_47 = arith.addi %mul3A_2, %add3A_46 : i32
    %dma_wait3A = arith.constant 1 : i32
    %dma_wait3A_48 = arith.constant 1 : i32
    %dma_wait3A_49 = arith.constant 0 : i32
    %dma_wait3A_50 = arith.constant 0 : i32
    %dma_wait3A_51 = tpu.memref_slice %arg6[%dma_wait3A, %dma_wait3A_49, %dma_wait3A_50] : memref<3x8x5120xf32, #tpu.memory_space<vmem>> -> memref<1x8x5120xf32, #tpu.memory_space<vmem>>
    %dma_wait3A_52 = tpu.memref_squeeze %dma_wait3A_51 : memref<1x8x5120xf32, #tpu.memory_space<vmem>> -> memref<8x5120xf32, #tpu.memory_space<vmem>>
    %dma_wait3A_53 = arith.constant 0 : i32
    %dma_wait3A_54 = tpu.memref_slice %arg4[%add3A_47, %dma_wait3A_53] : memref<81920x5120xf32, #tpu.memory_space<hbm>> -> memref<8x5120xf32, #tpu.memory_space<hbm>>
    %dma_wait3A_55 = tpu.memref_slice %arg8[%dma_wait3A_48] : memref<3x!tpu.dma_semaphore, #tpu.memory_space<semaphore_mem>> -> memref<1x!tpu.dma_semaphore, #tpu.memory_space<semaphore_mem>>
    %dma_wait3A_56 = tpu.memref_squeeze %dma_wait3A_55 : memref<1x!tpu.dma_semaphore, #tpu.memory_space<semaphore_mem>> -> memref<!tpu.dma_semaphore, #tpu.memory_space<semaphore_mem>>
    %dma_wait3A_57 = arith.constant 0 : i32
    %dma_wait3A_58 = tpu.memref_slice %arg4[%add3A_47, %dma_wait3A_57] : memref<81920x5120xf32, #tpu.memory_space<hbm>> -> memref<8x5120xf32, #tpu.memory_space<hbm>>
    %dma_wait3A_59 = arith.constant 0 : i32
    %dma_wait3A_60 = arith.constant 0 : i32
    %dma_wait3A_61 = tpu.memref_slice %arg6[%dma_wait3A, %dma_wait3A_59, %dma_wait3A_60] : memref<3x8x5120xf32, #tpu.memory_space<vmem>> -> memref<1x8x5120xf32, #tpu.memory_space<vmem>>
    %dma_wait3A_62 = tpu.memref_squeeze %dma_wait3A_61 : memref<1x8x5120xf32, #tpu.memory_space<vmem>> -> memref<8x5120xf32, #tpu.memory_space<vmem>>
    tpu.wait_dma2 semaphore(%dma_wait3A_56 : memref<!tpu.dma_semaphore, #tpu.memory_space<semaphore_mem>>) src(%dma_wait3A_62 : memref<8x5120xf32, #tpu.memory_space<vmem>>) dst(%dma_wait3A_58 : memref<8x5120xf32, #tpu.memory_space<hbm>>)
    return
  }
}

</mosaic_0001>

<sc_bundles>
// kernel: kernel.3.cloned.1.call-start
scs
__scs_entry_jumppad:
0x0: {  	(pc) =	sbr.rel $0x88, $3  }
0x1: {  	(tag) =	ssettag $0x0;
	lr =	simm.s32 $0x1  }
0x2: {  	[smem:$0x3F9F] =	sst lr;
	_ =	strace $0xD0000000  }
0x3: {  	_ = 	snop  }
0x4: {  	_ = 	snop  }
0x5: {  	_ = 	snop  }
0x6: {  	_ = 	snop  }
0x7: {  	_ = 	snop  }
__scs_overlays_trampoline_lowered:
0x8: {  	[smem:$0x3FAE] =	sst s0  }
0x9: {  	[smem:$0x3FAF] =	sst s1  }
0xa: {  	[smem:$0x3FB0] =	sst s2  }
0xb: {  	[smem:$0x3FB1] =	sst s3  }
0xc: {  	[smem:$0x3FB2] =	sst s4  }
0xd: {  	[smem:$0x3FB3] =	sst s5  }
0xe: {  	[smem:$0x3FB4] =	sst s6  }
0xf: {  	[smem:$0x3FB5] =	sst s7  }
0x10: {  	[smem:$0x3FB6] =	sst s8  }
0x11: {  	[smem:$0x3FB7] =	sst s9;
	s0 =	simm.s32 @!p0 $0x0  }
0x12: {  	s1 =	sld [smem:$0x3F9D];
	s0 =	simm.s32 @p0 $0x1  }
0x13: {  	[smem:$0x3FB8] =	sst s0;
	s0 =	simm.s32 @!p1 $0x0  }
0x14: {  	s2 =	sld [smem:$0x3F9C];
	s0 =	simm.s32 @p1 $0x1  }
0x15: {  	[smem:$0x3FB9] =	sst s0;
	s0 =	simm.s32 @!p2 $0x0  }
0x16: {  	s3 =	sld [smem:$0x3FDB];
	s0 =	simm.s32 @p2 $0x1  }
0x17: {  	s4 =	simm.s32 $0x1BF5;
	[smem:$0x3FBB] =	sst s0  }
0x18: {  	s0 =	sld [smem:$0x3F9E];
	_ =	swait.ge [sflag:s4], $0x0  }
0x19: {  	s7 =	sld [smem:$0x3F9F]  }
0x1a: {  	s8 =	sadd.s32 $0xFFFFE003, lr  }
0x1b: {  	s9 =	sadd.s32 $0xFFFFFEF7, lr;
	s5 =	simm.s32 $0xFFFFFFFF;
	p2 =	slt.u32 s8, $0xFFFFF086  }
0x1c: {  	p1 =	slt.u32 s9, $0xF7A;
	s5 =	simm.s32 @!p2 $0x0  }
0x1d: {  	s5 =	simm.s32 @p1 $0x1;
	p0 =	seq.s32 s7, s2  }
0x1e: {  	s7 =	smul.u32 @!p0 $0xF7A, s2;
	p2 =	seq.s32 @!p0 s5, $0x0  }
0x1f: {  	s9 =	smul.u32 $0xF7A, s1;
	s8 =	simm.s32 @!p0 $0x1BF5;
	p2 =	por !p2, p0  }
0x20: {  	[sflag:s8] =	ssyncset.s32 @!p0 $0xFFFFF086;
	s6 =	sadd.s32 @!p0 s3, s7;
	s7 =	simm.s32 @!p0 $0x108  }
0x21: {  	s3 =	sadd.s32 s3, s9;
	s6 =	sadd.s32 @!p0 $0x88, s6;
	s7 =	simm.s32 @p2 $0x1082  }
0x22: {  	[simem:s7], [sflag:s8] =	dma.local @!p0 [hbm:s6], $0xF7A  }
0x23: {  	s9 =	sor.u32 $0xD0000000, s2;
	s6 =	simm.s32 $0x108;
	_ =	swait.ge @!p0 [sflag:s8], $0x0  }
0x24: {  	s3 =	sadd.s32 $0x88, s3;
	s6 =	simm.s32 @!p1 $0x1082;
	[sflag:s4] =	ssyncset.s32 $0xFFFFF086  }
0x25: {  	[simem:s6], [sflag:s4] =	dma.local [hbm:s3], $0xF7A  }
0x26: {  	[smem:$0x3F9F] =	sst s1;
	(tag) =	ssettag s2;
	_ =	strace s9  }
0x27: {  	s1 =	sld [smem:$0x3FAF]  }
0x28: {  	s2 =	sld [smem:$0x3FB0]  }
0x29: {  	s4 =	sld [smem:$0x3FB2]  }
0x2a: {  	p0 =	seq.s32 s5, $0x0;
	s5 =	sld [smem:$0x3FB3]  }
0x2b: {  	s6 =	sld [smem:$0x3FB4]  }
0x2c: {  	s7 =	sld [smem:$0x3FB5]  }
0x2d: {  	s3 =	simm.s32 $0x108;
	s8 =	sld [smem:$0x3FB6]  }
0x2e: {  	s3 =	simm.s32 @!p0 $0x1082;
	s9 =	sld [smem:$0x3FB7]  }
0x2f: {  	lr =	sadd.s32 s0, s3;
	s0 =	sld [smem:$0x3FAE]  }
0x30: {  	s3 =	sld [smem:$0x3FB1]  }
0x31: {  	[smem:$0x3FBA] =	sst s10  }
0x32: {  	s10 =	sld [smem:$0x3FB8];
	_ =	sdelay $0x3  }
0x33: {  	p0 =	seq.s32 s10, $0x1;
	s10 =	sld [smem:$0x3FBA];
	_ =	sdelay $0x3  }
0x34: {  	[smem:$0x3FBA] =	sst s10  }
0x35: {  	s10 =	sld [smem:$0x3FB9];
	_ =	sdelay $0x3  }
0x36: {  	p1 =	seq.s32 s10, $0x1;
	s10 =	sld [smem:$0x3FBA];
	_ =	sdelay $0x3  }
0x37: {  	[smem:$0x3FBA] =	sst s10  }
0x38: {  	s10 =	sld [smem:$0x3FBB]  }
0x39: {  	_ = 	snop;
	(pc) =	sbr.ind lr, $3  }
0x3a: {  	_ = 	snop  }
0x3b: {  	_ = 	snop  }
0x3c: {  	p2 =	seq.s32 s10, $0x1;
	s10 =	sld [smem:$0x3FBA]  }
0x3d: {  	_ =	shalt  }
0x3e: {  	_ =	shalt  }
0x3f: {  	_ =	shalt  }
0x40: {  	_ =	shalt  }
0x41: {  	_ =	shalt  }
0x42: {  	_ =	shalt  }
0x43: {  	_ =	shalt  }
0x44: {  	_ =	shalt  }
0x45: {  	_ =	shalt  }
0x46: {  	_ =	shalt  }
0x47: {  	_ =	shalt  }
0x48: {  	_ =	shalt  }
0x49: {  	_ =	shalt  }
0x4a: {  	_ =	shalt  }
0x4b: {  	_ =	shalt  }
0x4c: {  	_ =	shalt  }
0x4d: {  	_ =	shalt  }
0x4e: {  	_ =	shalt  }
0x4f: {  	_ =	shalt  }
0x50: {  	_ =	shalt  }
0x51: {  	_ =	shalt  }
0x52: {  	_ =	shalt  }
0x53: {  	_ =	shalt  }
0x54: {  	_ =	shalt  }
0x55: {  	_ =	shalt  }
0x56: {  	_ =	shalt  }
0x57: {  	_ =	shalt  }
0x58: {  	_ =	shalt  }
0x59: {  	_ =	shalt  }
0x5a: {  	_ =	shalt  }
0x5b: {  	_ =	shalt  }
0x5c: {  	_ =	shalt  }
0x5d: {  	_ =	shalt  }
0x5e: {  	_ =	shalt  }
0x5f: {  	_ =	shalt  }
0x60: {  	_ =	shalt  }
0x61: {  	_ =	shalt  }
0x62: {  	_ =	shalt  }
0x63: {  	_ =	shalt  }
0x64: {  	_ =	shalt  }
0x65: {  	_ =	shalt  }
0x66: {  	_ =	shalt  }
0x67: {  	_ =	shalt  }
0x68: {  	_ =	shalt  }
0x69: {  	_ =	shalt  }
0x6a: {  	_ =	shalt  }
0x6b: {  	_ =	shalt  }
0x6c: {  	_ =	shalt  }
0x6d: {  	_ =	shalt  }
0x6e: {  	_ =	shalt  }
0x6f: {  	_ =	shalt  }
0x70: {  	_ =	shalt  }
0x71: {  	_ =	shalt  }
0x72: {  	_ =	shalt  }
0x73: {  	_ =	shalt  }
0x74: {  	_ =	shalt  }
0x75: {  	_ =	shalt  }
0x76: {  	_ =	shalt  }
0x77: {  	_ =	shalt  }
0x78: {  	_ =	shalt  }
0x79: {  	_ =	shalt  }
0x7a: {  	_ =	shalt  }
0x7b: {  	_ =	shalt  }
0x7c: {  	_ =	shalt  }
0x7d: {  	_ =	shalt  }
0x7e: {  	_ =	shalt  }
0x7f: {  	_ =	shalt  }
0x80: {  	_ =	shalt  }
0x81: {  	_ =	shalt  }
0x82: {  	_ =	shalt  }
0x83: {  	_ =	shalt  }
0x84: {  	_ =	shalt  }
0x85: {  	_ =	shalt  }
0x86: {  	_ =	shalt  }
0x87: {  	_ =	shalt  }
.Lfunc_end0:
.L_simem_size_0:
called_computation_lowered:
.L_overlay_start_0:
0x88: {  	s2 =	sld [smem:$0x3FD9]  }
0x89: {  	s3 =	sld [smem:$0x3FFE];
	_ =	sdelay $0x1  }
0x8a: {  	s1 =	srdreg.scid  }
0x8b: {  	s0 =	sand.u32 $0x1, s1  }
0x8c: {  	s17 =	sshll.u32 s0, $0xA;
	s2 =	sadd.s32 s3, s2  }
0x8d: {  	s2 =	sadd.s32 s2, s17  }
0x8e: {  	[smem:$0x3FC6] =	sst s2  }
0x8f: {  	_ = 	snop  }
0x90: {  	s2 =	sld [smem:$0x3FC8]  }
0x91: {  	s18 =	sld [smem:$0x3FD0];
	(tm) =	ssettm $0x1  }
0x92: {  	s4 =	sld [smem:$0x3FFB];
	_ =	sdelay $0x3  }
0x93: {  	_ =	strace s4  }
0x94: {  	s4 =	sld [smem:$0x3FFC];
	_ =	sdelay $0x3  }
0x95: {  	_ =	strace s4  }
0x96: {  	s4 =	sld [smem:$0x3FFD];
	_ =	sdelay $0x3  }
0x97: {  	_ =	strace s4  }
0x98: {  	_ =	strace $0x8FFFFFFF  }
0x99: {  	s19 =	sld [smem:$0x3FDB];
	_ =	sdelay $0x1  }
0x9a: {  	s5 =	simm.s32 $_scs_section_size  }
0x9b: {  	s6 =	simm.s32 $_size__tile_overlayer_lowered;
	s7 =	simm.s32 $_tile_overlayer_lowered  }
0x9c: {  	s22 =	simm.s32 $0x1BFF;
	s21 =	sshll.u32 s7, $0x1;
	s4 =	sadd.s32 s5, s19  }
0x9d: {  	s8 =	simm.s32 $0x0;
	s20 =	sshll.u32 s6, $0x1;
	s6 =	sadd.s32 s21, s4  }
0x9e: {  	[timem:s8], [sflag:s22] =	dma.local [hbm:s6], s20  }
0x9f: {  	_ =	swait.ge [sflag:s22], s20  }
0xa0: {  	s5 =	ssub.s32 $0x0, s20;
	[sflag:s22] =	ssyncset.done $0x0  }
0xa1: {  	[sflag:s22] =	ssyncadd.s32 s5;
	_ =	sdelay $0x1  }
0xa2: {  	s23 =	simm.s32 $0x1B8B  }
0xa3: {  	_ =	swait.ge [sflag:s23], $0x1  }
0xa4: {  	[sflag:s23] =	ssyncset.done $0x0  }
0xa5: {  	s25 =	simm.s32 $0x1B8E;
	s24 =	sld [smem:$0x3FFE];
	[sflag:s23] =	ssyncadd.s32 $0xFFFFFFFF  }
0xa6: {  	s26 =	simm.s32 $execute0_lowered;
	[smem:$0x3FD2] =	sst s25  }
0xa7: {  	s6 =	sshll.u32 s26, $0x1;
	_ =	strace $0x80000046;
	[dreg:$0x1] =	wrdreg $0xFFFFFFFF  }
0xa8: {  	s28 =	simm.s32 $_size_execute0_lowered;
	s4 =	sadd.s32 s4, s6;
	[dreg:$0x0] =	wrdreg $0x0  }
0xa9: {  	s6 =	sshll.u32 s28, $0x1;
	[dreg:$0x2] =	wrdreg s4  }
0xaa: {  	[dreg:$0x3] =	wrdreg s6  }
0xab: {  	[dreg:$0x4] =	wrdreg $0xC0  }
0xac: {  	_ =	task [dreg:s8], $0x5FFFF  }
0xad: {  	[dreg:$0x1] =	wrdreg $0xFFFFFFFF  }
0xae: {  	[dreg:$0x0] =	wrdreg $0x60  }
0xaf: {  	[dreg:$0x2] =	wrdreg s2  }
0xb0: {  	[dreg:$0x3] =	wrdreg s24  }
0xb1: {  	[dreg:$0x4] =	wrdreg s18  }
0xb2: {  	[dreg:$0x5] =	wrdreg $0x9  }
0xb3: {  	_ =	task.clear_ibuf [dreg:s8], $0x6FFFF;
	_ =	strace $0x90000046  }
0xb4: {  	s29 =	simm.s32 $0x9;
	_ =	strace $0x80000048  }
0xb5: {  	_ =	swait.ge [sflag:s29], $0x1  }
0xb6: {  	[sflag:s29] =	ssyncadd.s32 $0xFFFFFFFF  }
0xb7: {  	_ =	strace $0x90000048  }
0xb8: {  	_ =	sfence  }
0xb9: {  	s30 =	sld [smem:$0x0];
	_ =	sdelay $0x2  }
0xba: {  	s31 =	sshll.u32 s1, $0xD;
	s1 =	sshrl.u32 s1, $0x2  }
0xbb: {  	s3 =	sand.u32 $0x4000, s31;
	s1 =	sadd.s32 s1, s30  }
0xbc: {  	s0 =	sor.u32 s3, s0;
	s1 =	sshll.u32 s1, $0x11  }
0xbd: {  	s0 =	sor.u32 s1, s0  }
0xbe: {  	s0 =	sadd.s32 $0x8F2B, s0  }
0xbf: {  	[sflag:s0] =	ssyncadd.remote.s32 $0x1  }
0xc0: {  	_ =	sfence.sel $0xFFFF  }
0xc1: {  	[dreg:$0x0] =	wrdreg $0xFFFFFFFF;
	(pc) =	sbr.abs _section_cstart, $3  }
0xc2: {  	[dreg:$0x1] =	wrdreg $0xFFFFFFFF  }
0xc3: {  	_ =	task.clear_ibuf [dreg:s8], $0x2FFFF;
	_ =	strace $0x9FFFFFFF  }
0xc4: {  	(tm) =	ssettm $0x7FFFFFFF  }
0xc5: {  	_ =	shalt  }
tec
execute0_lowered:
.L_overlay_start_1:
0x0: {  	(tag) =	ssettag $0x1  }
0x1: {  	s1 =	rddreg [dreg:$0x0]  }
0x2: {  	s0 =	srdreg.scid;
	s4 =	rddreg [dreg:$0x1]  }
0x3: {  	s8 =	stileid.u32;
	s23 =	rddreg [dreg:$0x2]  }
0x4: {  	s3 =	simm.s32 $0x0;
	s28 =	simm.s32 $0xA00;
	s26 =	simm.s32 $0x4  }
0x5: {  	s25 =	simm.s32 $0x0;
	s0 =	sand.u32 $0x1, s0;
	s2 =	sshll.u32 s8, $0x1  }
0x6: {  	[smem:$0x7FF] =	sst s3;
	s6 =	sadd.s32 $0x200, s1;
	s7 =	sadd.s32 $0x300, s1  }
0x7: {  	s30 =	smul.u32 $0x1400, s8;
	s8 =	sadd.s32 $0x400, s1;
	s9 =	sadd.s32 $0x500, s1  }
0x8: {  	s10 =	sadd.s32 $0x600, s1;
	s11 =	sadd.s32 $0x700, s1;
	s12 =	sadd.s32 $0x800, s1  }
0x9: {  	s13 =	sadd.s32 $0x900, s1;
	s14 =	sadd.s32 $0xA00, s1;
	s15 =	sadd.s32 $0xB00, s1  }
0xa: {  	s16 =	sadd.s32 $0xC00, s1;
	s17 =	sadd.s32 $0xD00, s1;
	s18 =	sadd.s32 $0xE00, s1  }
0xb: {  	s2 =	sor.u32 s0, s2;
	s5 =	ssub.s32 $0x2, s0;
	s0 =	smul.u32 $0xA00, s0  }
0xc: {  	s19 =	sadd.s32 $0xF00, s1;
	s20 =	sadd.s32 $0x1000, s1;
	s2 =	smul.u32 $0xA00, s2  }
0xd: {  	s21 =	sadd.s32 $0x1100, s1;
	s22 =	sadd.s32 $0x1200, s1;
	s24 =	sadd.s32 $0x1300, s1  }
0xe: {  	s29 =	sshrl.u32 s5, $0x1;
	s0 =	sadd.s32 s0, s30;
	s2 =	sshrl.u32 s2, $0x3  }
.Ltmp0:
0xf: {  	s0 =	sshrl.u32 s0, $0x3;
	s2 =	sadd.s32 s2, s4;
	(pc) =	sbr.rel .LBB2_1-.Ltmp0, $4  }
0x10: {  	s4 =	ssub.s32 s5, s29;
	s0 =	smul.u32 $0x1400, s0;
	s2 =	sadd.s32 $0x400, s2  }
0x11: {  	v0 =	vlaneseq.u32;
	_ =	strace $0x80000047;
	s31 =	smax.u32 s4, $0x1;
	[dreg:$0x4] =	wrdreg s2  }
0x12: {  	v1 =	vshrl.u32 v0, $0x3;
	s5 =	sadd.s32 $0x100, s1;
	s0 =	sadd.s32 s0, s23;
	[dreg:$0x6] =	wrdreg s31  }
0x13: {  	vm0 =	vmmov $0xffff;
	v0 =	vand.u32 $0x7, v0;
	v1 =	vmul.u32 $0x8, v1;
	s4 =	simm.s32 $0x2;
	[dreg:$0x5] =	wrdreg s0;
	s0 =	simm.s32 $0x1  }
.LBB2_9:
0x14: {  	s23 =	simm.s32 $0x5  }
0x15: {  	_ =	swait.ge [sflag:s23], $0xA000  }
0x16: {  	s25 =	rddreg [dreg:$0x7]  }
0x17: {  	s2 =	rddreg [dreg:$0x6];
	s25 =	sadd.s32 $0x1, s25  }
0x18: {  	p0 =	sne.s32 s25, s2  }
.Ltmp1:
0x19: {  	_ = 	snop;
	(pc) =	sbr.rel @!p0 .LBB2_10-.Ltmp1, $3  }
0x1a: {  	_ =	sdelay $0x1  }
0x1b: {  	[sflag:s23] =	ssyncset.done $0x0  }
0x1c: {  	[sflag:s23] =	ssyncadd.s32 $0xFFFF6000  }
.LBB2_1:
0x1d: {  	[dreg:$0x7] =	wrdreg s25  }
0x1e: {  	s2 =	rddreg [dreg:$0x4];
	s23 =	simm.s32 $0x7  }
0x1f: {  	[tilespmem:s3], [sflag:$0x7] =	stream.linear.gather [hbm4b:s2+s3], $0xA00, $0x38;
	[tilespmem:$0x1EA00] =	vst v63  }
0x20: {  	_ =	swait.ge [sflag:s23], $0xA00  }
0x21: {  	[sflag:s23] =	ssyncset.done $0x0  }
0x22: {  	[sflag:s23] =	ssyncadd.s32 $0xFFFFF600  }
0x23: {  	v2 =	vld.msk [tilespmem:$0x0], $0xff;
	_ =	sdelay $0x4  }
0x24: {  	v3 =	vshrl.u32 v2, $0x3  }
0x25: {  	v3 =	vmul.u32 $0x140, v3  }
0x26: {  	v2 =	vand.u32 $0x7, v2  }
0x27: {  	v2 =	vor.u32 v2, v3  }
0x28: {  	v2 =	vperm.xlane v2, v0;
	_ =	sdelay $0x1  }
0x29: {  	v2 =	vadd.s32 v1, v2;
	_ =	sdelay $0x4  }
0x2a: {  	[tilespmem:s28], [sflag:$0x1] =	stream.indirect_vreg.gather [hbm4b:s1+s3], $0x80, v2, vm0, $0xb8;
	[tilespmem:$0x1EA00] =	vst v63  }
0x2b: {  	s25 =	simm.s32 $0x1200  }
0x2c: {  	[tilespmem:s25], [sflag:$0x1] =	stream.indirect_vreg.gather [hbm4b:s5+s3], $0x80, v2, vm0, $0xb8;
	[tilespmem:$0x1EA00] =	vst v63  }
0x2d: {  	s29 =	simm.s32 $0x1A00  }
0x2e: {  	[tilespmem:s29], [sflag:$0x1] =	stream.indirect_vreg.gather [hbm4b:s6+s3], $0x80, v2, vm0, $0xb8;
	[tilespmem:$0x1EA00] =	vst v63  }
0x2f: {  	s23 =	simm.s32 $0x2200  }
0x30: {  	[tilespmem:s23], [sflag:$0x1] =	stream.indirect_vreg.gather [hbm4b:s7+s3], $0x80, v2, vm0, $0xb8;
	[tilespmem:$0x1EA00] =	vst v63  }
0x31: {  	s25 =	simm.s32 $0x2A00  }
0x32: {  	[tilespmem:s25], [sflag:$0x1] =	stream.indirect_vreg.gather [hbm4b:s8+s3], $0x80, v2, vm0, $0xb8;
	[tilespmem:$0x1EA00] =	vst v63  }
0x33: {  	s29 =	simm.s32 $0x3200  }
0x34: {  	[tilespmem:s29], [sflag:$0x1] =	stream.indirect_vreg.gather [hbm4b:s9+s3], $0x80, v2, vm0, $0xb8;
	[tilespmem:$0x1EA00] =	vst v63  }
0x35: {  	s23 =	simm.s32 $0x3A00  }
0x36: {  	[tilespmem:s23], [sflag:$0x1] =	stream.indirect_vreg.gather [hbm4b:s10+s3], $0x80, v2, vm0, $0xb8;
	[tilespmem:$0x1EA00] =	vst v63  }
0x37: {  	s25 =	simm.s32 $0x4200  }
0x38: {  	[tilespmem:s25], [sflag:$0x1] =	stream.indirect_vreg.gather [hbm4b:s11+s3], $0x80, v2, vm0, $0xb8;
	[tilespmem:$0x1EA00] =	vst v63  }
0x39: {  	s29 =	simm.s32 $0x4A00  }
0x3a: {  	[tilespmem:s29], [sflag:$0x1] =	stream.indirect_vreg.gather [hbm4b:s12+s3], $0x80, v2, vm0, $0xb8;
	[tilespmem:$0x1EA00] =	vst v63  }
0x3b: {  	s23 =	simm.s32 $0x5200  }
0x3c: {  	[tilespmem:s23], [sflag:$0x1] =	stream.indirect_vreg.gather [hbm4b:s13+s3], $0x80, v2, vm0, $0xb8;
	[tilespmem:$0x1EA00] =	vst v63  }
0x3d: {  	s25 =	simm.s32 $0x5A00  }
0x3e: {  	[tilespmem:s25], [sflag:$0x1] =	stream.indirect_vreg.gather [hbm4b:s14+s3], $0x80, v2, vm0, $0xb8;
	[tilespmem:$0x1EA00] =	vst v63  }
0x3f: {  	s29 =	simm.s32 $0x6200  }
0x40: {  	[tilespmem:s29], [sflag:$0x1] =	stream.indirect_vreg.gather [hbm4b:s15+s3], $0x80, v2, vm0, $0xb8;
	[tilespmem:$0x1EA00] =	vst v63  }
0x41: {  	s23 =	simm.s32 $0x6A00  }
0x42: {  	[tilespmem:s23], [sflag:$0x1] =	stream.indirect_vreg.gather [hbm4b:s16+s3], $0x80, v2, vm0, $0xb8;
	[tilespmem:$0x1EA00] =	vst v63  }
0x43: {  	s25 =	simm.s32 $0x7200  }
0x44: {  	[tilespmem:s25], [sflag:$0x1] =	stream.indirect_vreg.gather [hbm4b:s17+s3], $0x80, v2, vm0, $0xb8;
	[tilespmem:$0x1EA00] =	vst v63  }
0x45: {  	s29 =	simm.s32 $0x7A00  }
0x46: {  	[tilespmem:s29], [sflag:$0x1] =	stream.indirect_vreg.gather [hbm4b:s18+s3], $0x80, v2, vm0, $0xb8;
	[tilespmem:$0x1EA00] =	vst v63  }
0x47: {  	s23 =	simm.s32 $0x8200  }
0x48: {  	[tilespmem:s23], [sflag:$0x1] =	stream.indirect_vreg.gather [hbm4b:s19+s3], $0x80, v2, vm0, $0xb8;
	[tilespmem:$0x1EA00] =	vst v63  }
0x49: {  	s25 =	simm.s32 $0x8A00  }
0x4a: {  	[tilespmem:s25], [sflag:$0x1] =	stream.indirect_vreg.gather [hbm4b:s20+s3], $0x80, v2, vm0, $0xb8;
	[tilespmem:$0x1EA00] =	vst v63  }
0x4b: {  	s29 =	simm.s32 $0x9200  }
0x4c: {  	[tilespmem:s29], [sflag:$0x1] =	stream.indirect_vreg.gather [hbm4b:s21+s3], $0x80, v2, vm0, $0xb8;
	[tilespmem:$0x1EA00] =	vst v63  }
0x4d: {  	s23 =	simm.s32 $0x9A00  }
0x4e: {  	[tilespmem:s23], [sflag:$0x1] =	stream.indirect_vreg.gather [hbm4b:s22+s3], $0x80, v2, vm0, $0xb8;
	[tilespmem:$0x1EA00] =	vst v63  }
0x4f: {  	s25 =	simm.s32 $0xA200  }
0x50: {  	[tilespmem:s25], [sflag:$0x1] =	stream.indirect_vreg.gather [hbm4b:s24+s3], $0x80, v2, vm0, $0xb8;
	[tilespmem:$0x1EA00] =	vst v63  }
0x51: {  	v2 =	vld.msk [tilespmem:$0x8], $0xff;
	_ =	sdelay $0x4  }
0x52: {  	v3 =	vshrl.u32 v2, $0x3  }
0x53: {  	v3 =	vmul.u32 $0x140, v3  }
0x54: {  	v2 =	vand.u32 $0x7, v2  }
0x55: {  	v2 =	vor.u32 v2, v3  }
0x56: {  	v2 =	vperm.xlane v2, v0;
	_ =	sdelay $0x1  }
0x57: {  	v2 =	vadd.s32 v1, v2;
	_ =	sdelay $0x3  }
0x58: {  	s29 =	simm.s32 $0xAA00  }
0x59: {  	[tilespmem:s29], [sflag:$0x2] =	stream.indirect_vreg.gather [hbm4b:s1+s3], $0x80, v2, vm0, $0xb8;
	[tilespmem:$0x1EA00] =	vst v63  }
0x5a: {  	s23 =	simm.s32 $0xB200  }
0x5b: {  	[tilespmem:s23], [sflag:$0x2] =	stream.indirect_vreg.gather [hbm4b:s5+s3], $0x80, v2, vm0, $0xb8;
	[tilespmem:$0x1EA00] =	vst v63  }
0x5c: {  	s25 =	simm.s32 $0xBA00  }
0x5d: {  	[tilespmem:s25], [sflag:$0x2] =	stream.indirect_vreg.gather [hbm4b:s6+s3], $0x80, v2, vm0, $0xb8;
	[tilespmem:$0x1EA00] =	vst v63  }
0x5e: {  	s29 =	simm.s32 $0xC200  }
0x5f: {  	[tilespmem:s29], [sflag:$0x2] =	stream.indirect_vreg.gather [hbm4b:s7+s3], $0x80, v2, vm0, $0xb8;
	[tilespmem:$0x1EA00] =	vst v63  }
0x60: {  	s23 =	simm.s32 $0xCA00  }
0x61: {  	[tilespmem:s23], [sflag:$0x2] =	stream.indirect_vreg.gather [hbm4b:s8+s3], $0x80, v2, vm0, $0xb8;
	[tilespmem:$0x1EA00] =	vst v63  }
0x62: {  	s25 =	simm.s32 $0xD200  }
0x63: {  	[tilespmem:s25], [sflag:$0x2] =	stream.indirect_vreg.gather [hbm4b:s9+s3], $0x80, v2, vm0, $0xb8;
	[tilespmem:$0x1EA00] =	vst v63  }
0x64: {  	s29 =	simm.s32 $0xDA00  }
0x65: {  	[tilespmem:s29], [sflag:$0x2] =	stream.indirect_vreg.gather [hbm4b:s10+s3], $0x80, v2, vm0, $0xb8;
	[tilespmem:$0x1EA00] =	vst v63  }
0x66: {  	s23 =	simm.s32 $0xE200  }
0x67: {  	[tilespmem:s23], [sflag:$0x2] =	stream.indirect_vreg.gather [hbm4b:s11+s3], $0x80, v2, vm0, $0xb8;
	[tilespmem:$0x1EA00] =	vst v63  }
0x68: {  	s25 =	simm.s32 $0xEA00  }
0x69: {  	[tilespmem:s25], [sflag:$0x2] =	stream.indirect_vreg.gather [hbm4b:s12+s3], $0x80, v2, vm0, $0xb8;
	[tilespmem:$0x1EA00] =	vst v63  }
0x6a: {  	s29 =	simm.s32 $0xF200  }
0x6b: {  	[tilespmem:s29], [sflag:$0x2] =	stream.indirect_vreg.gather [hbm4b:s13+s3], $0x80, v2, vm0, $0xb8;
	[tilespmem:$0x1EA00] =	vst v63  }
0x6c: {  	s23 =	simm.s32 $0xFA00  }
0x6d: {  	[tilespmem:s23], [sflag:$0x2] =	stream.indirect_vreg.gather [hbm4b:s14+s3], $0x80, v2, vm0, $0xb8;
	[tilespmem:$0x1EA00] =	vst v63  }
0x6e: {  	s25 =	simm.s32 $0x10200  }
0x6f: {  	[tilespmem:s25], [sflag:$0x2] =	stream.indirect_vreg.gather [hbm4b:s15+s3], $0x80, v2, vm0, $0xb8;
	[tilespmem:$0x1EA00] =	vst v63  }
0x70: {  	s29 =	simm.s32 $0x10A00  }
0x71: {  	[tilespmem:s29], [sflag:$0x2] =	stream.indirect_vreg.gather [hbm4b:s16+s3], $0x80, v2, vm0, $0xb8;
	[tilespmem:$0x1EA00] =	vst v63  }
0x72: {  	s23 =	simm.s32 $0x11200  }
0x73: {  	[tilespmem:s23], [sflag:$0x2] =	stream.indirect_vreg.gather [hbm4b:s17+s3], $0x80, v2, vm0, $0xb8;
	[tilespmem:$0x1EA00] =	vst v63  }
0x74: {  	s25 =	simm.s32 $0x11A00  }
0x75: {  	[tilespmem:s25], [sflag:$0x2] =	stream.indirect_vreg.gather [hbm4b:s18+s3], $0x80, v2, vm0, $0xb8;
	[tilespmem:$0x1EA00] =	vst v63  }
0x76: {  	s29 =	simm.s32 $0x12200  }
0x77: {  	[tilespmem:s29], [sflag:$0x2] =	stream.indirect_vreg.gather [hbm4b:s19+s3], $0x80, v2, vm0, $0xb8;
	[tilespmem:$0x1EA00] =	vst v63  }
0x78: {  	s23 =	simm.s32 $0x12A00  }
0x79: {  	[tilespmem:s23], [sflag:$0x2] =	stream.indirect_vreg.gather [hbm4b:s20+s3], $0x80, v2, vm0, $0xb8;
	[tilespmem:$0x1EA00] =	vst v63  }
0x7a: {  	s25 =	simm.s32 $0x13200  }
0x7b: {  	[tilespmem:s25], [sflag:$0x2] =	stream.indirect_vreg.gather [hbm4b:s21+s3], $0x80, v2, vm0, $0xb8;
	[tilespmem:$0x1EA00] =	vst v63  }
0x7c: {  	s29 =	simm.s32 $0x13A00  }
0x7d: {  	[tilespmem:s29], [sflag:$0x2] =	stream.indirect_vreg.gather [hbm4b:s22+s3], $0x80, v2, vm0, $0xb8;
	[tilespmem:$0x1EA00] =	vst v63  }
0x7e: {  	s23 =	simm.s32 $0x14200  }
0x7f: {  	[tilespmem:s23], [sflag:$0x2] =	stream.indirect_vreg.gather [hbm4b:s24+s3], $0x80, v2, vm0, $0xb8;
	[tilespmem:$0x1EA00] =	vst v63  }
0x80: {  	v2 =	vld.msk [tilespmem:$0x10], $0xff;
	_ =	sdelay $0x4  }
0x81: {  	v3 =	vshrl.u32 v2, $0x3  }
0x82: {  	v3 =	vmul.u32 $0x140, v3  }
0x83: {  	v2 =	vand.u32 $0x7, v2  }
0x84: {  	v2 =	vor.u32 v2, v3  }
0x85: {  	v2 =	vperm.xlane v2, v0;
	_ =	sdelay $0x1  }
0x86: {  	v2 =	vadd.s32 v1, v2;
	_ =	sdelay $0x3  }
0x87: {  	s25 =	simm.s32 $0x14A00  }
0x88: {  	[tilespmem:s25], [sflag:$0x3] =	stream.indirect_vreg.gather [hbm4b:s1+s3], $0x80, v2, vm0, $0xb8;
	[tilespmem:$0x1EA00] =	vst v63  }
0x89: {  	s29 =	simm.s32 $0x15200  }
0x8a: {  	[tilespmem:s29], [sflag:$0x3] =	stream.indirect_vreg.gather [hbm4b:s5+s3], $0x80, v2, vm0, $0xb8;
	[tilespmem:$0x1EA00] =	vst v63  }
0x8b: {  	s23 =	simm.s32 $0x15A00  }
0x8c: {  	[tilespmem:s23], [sflag:$0x3] =	stream.indirect_vreg.gather [hbm4b:s6+s3], $0x80, v2, vm0, $0xb8;
	[tilespmem:$0x1EA00] =	vst v63  }
0x8d: {  	s25 =	simm.s32 $0x16200  }
0x8e: {  	[tilespmem:s25], [sflag:$0x3] =	stream.indirect_vreg.gather [hbm4b:s7+s3], $0x80, v2, vm0, $0xb8;
	[tilespmem:$0x1EA00] =	vst v63  }
0x8f: {  	s29 =	simm.s32 $0x16A00  }
0x90: {  	[tilespmem:s29], [sflag:$0x3] =	stream.indirect_vreg.gather [hbm4b:s8+s3], $0x80, v2, vm0, $0xb8;
	[tilespmem:$0x1EA00] =	vst v63  }
0x91: {  	s23 =	simm.s32 $0x17200  }
0x92: {  	[tilespmem:s23], [sflag:$0x3] =	stream.indirect_vreg.gather [hbm4b:s9+s3], $0x80, v2, vm0, $0xb8;
	[tilespmem:$0x1EA00] =	vst v63  }
0x93: {  	s25 =	simm.s32 $0x17A00  }
0x94: {  	[tilespmem:s25], [sflag:$0x3] =	stream.indirect_vreg.gather [hbm4b:s10+s3], $0x80, v2, vm0, $0xb8;
	[tilespmem:$0x1EA00] =	vst v63  }
0x95: {  	s29 =	simm.s32 $0x18200  }
0x96: {  	[tilespmem:s29], [sflag:$0x3] =	stream.indirect_vreg.gather [hbm4b:s11+s3], $0x80, v2, vm0, $0xb8;
	[tilespmem:$0x1EA00] =	vst v63  }
0x97: {  	s23 =	simm.s32 $0x18A00  }
0x98: {  	[tilespmem:s23], [sflag:$0x3] =	stream.indirect_vreg.gather [hbm4b:s12+s3], $0x80, v2, vm0, $0xb8;
	[tilespmem:$0x1EA00] =	vst v63  }
0x99: {  	s25 =	simm.s32 $0x19200  }
0x9a: {  	[tilespmem:s25], [sflag:$0x3] =	stream.indirect_vreg.gather [hbm4b:s13+s3], $0x80, v2, vm0, $0xb8;
	[tilespmem:$0x1EA00] =	vst v63  }
0x9b: {  	s29 =	simm.s32 $0x19A00  }
0x9c: {  	[tilespmem:s29], [sflag:$0x3] =	stream.indirect_vreg.gather [hbm4b:s14+s3], $0x80, v2, vm0, $0xb8;
	[tilespmem:$0x1EA00] =	vst v63  }
0x9d: {  	s23 =	simm.s32 $0x1A200  }
0x9e: {  	[tilespmem:s23], [sflag:$0x3] =	stream.indirect_vreg.gather [hbm4b:s15+s3], $0x80, v2, vm0, $0xb8;
	[tilespmem:$0x1EA00] =	vst v63  }
0x9f: {  	s25 =	simm.s32 $0x1AA00  }
0xa0: {  	[tilespmem:s25], [sflag:$0x3] =	stream.indirect_vreg.gather [hbm4b:s16+s3], $0x80, v2, vm0, $0xb8;
	[tilespmem:$0x1EA00] =	vst v63  }
0xa1: {  	s29 =	simm.s32 $0x1B200  }
0xa2: {  	[tilespmem:s29], [sflag:$0x3] =	stream.indirect_vreg.gather [hbm4b:s17+s3], $0x80, v2, vm0, $0xb8;
	[tilespmem:$0x1EA00] =	vst v63  }
0xa3: {  	s23 =	simm.s32 $0x1BA00  }
0xa4: {  	[tilespmem:s23], [sflag:$0x3] =	stream.indirect_vreg.gather [hbm4b:s18+s3], $0x80, v2, vm0, $0xb8;
	[tilespmem:$0x1EA00] =	vst v63  }
0xa5: {  	s25 =	simm.s32 $0x1C200  }
0xa6: {  	[tilespmem:s25], [sflag:$0x3] =	stream.indirect_vreg.gather [hbm4b:s19+s3], $0x80, v2, vm0, $0xb8;
	[tilespmem:$0x1EA00] =	vst v63  }
0xa7: {  	s29 =	simm.s32 $0x1CA00  }
0xa8: {  	[tilespmem:s29], [sflag:$0x3] =	stream.indirect_vreg.gather [hbm4b:s20+s3], $0x80, v2, vm0, $0xb8;
	[tilespmem:$0x1EA00] =	vst v63  }
0xa9: {  	s23 =	simm.s32 $0x1D200  }
0xaa: {  	[tilespmem:s23], [sflag:$0x3] =	stream.indirect_vreg.gather [hbm4b:s21+s3], $0x80, v2, vm0, $0xb8;
	[tilespmem:$0x1EA00] =	vst v63  }
0xab: {  	s30 =	simm.s32 $0x10;
	s25 =	simm.s32 $0x1DA00  }
0xac: {  	[tilespmem:s25], [sflag:$0x3] =	stream.indirect_vreg.gather [hbm4b:s22+s3], $0x80, v2, vm0, $0xb8;
	[tilespmem:$0x1EA00] =	vst v63  }
0xad: {  	s31 =	simm.s32 $0xFFFFFFFE;
	s2 =	simm.s32 $0x0;
	s29 =	simm.s32 $0x1E200  }
0xae: {  	[tilespmem:s29], [sflag:$0x3] =	stream.indirect_vreg.gather [hbm4b:s24+s3], $0x80, v2, vm0, $0xb8;
	[tilespmem:$0x1EA00] =	vst v63  }
.LBB2_2:
0xaf: {  	_ =	swait.ge [sflag:s0], $0xA000  }
0xb0: {  	p0 =	sgt.u32 s31, $0x13F;
	[sflag:s0] =	ssyncset.done $0x0;
	s23 =	rddreg [dreg:$0x5]  }
0xb1: {  	s29 =	simm.s32 @!p0 $0x5;
	[sflag:s0] =	ssyncadd.s32 $0xFFFF6000;
	s25 =	sadd.s32 s2, s23  }
0xb2: {  	[hbm4b:s25+s3] =	stream.linear.scatter [tilespmem:s28], [sflag:$0x4], $0xA000, $0x38;
	[tilespmem:$0x1EA00] =	vst v63  }
0xb3: {  	_ =	swait.ge @!p0 [sflag:s29], $0xA000  }
0xb4: {  	[sflag:s29] =	ssyncset.done @!p0 $0x0  }
0xb5: {  	[sflag:s29] =	ssyncadd.s32 @!p0 $0xFFFF6000  }
0xb6: {  	v2 =	vld.msk @!p0 [tilespmem:s30+$0xFFFFFFF8], $0xff;
	_ =	sdelay $0x4  }
0xb7: {  	v3 =	vshrl.u32 @!p0 v2, $0x3  }
0xb8: {  	v3 =	vmul.u32 @!p0 $0x140, v3  }
0xb9: {  	v4 =	vlaneseq.u32 @!p0;
	v2 =	vand.u32 @!p0 $0x7, v2  }
0xba: {  	v2 =	vor.u32 @!p0 v2, v3;
	v3 =	vand.u32 @!p0 $0x7, v4;
	v4 =	vshrl.u32 @!p0 v4, $0x3  }
0xbb: {  	v2 =	vperm.xlane @!p0 v2, v3;
	v3 =	vmul.u32 @!p0 $0x8, v4;
	_ =	sdelay $0x1  }
0xbc: {  	v2 =	vadd.s32 @!p0 v3, v2;
	_ =	sdelay $0x3  }
0xbd: {  	vm1 =	vmmov @!p0 $0xffff;
	s23 =	simm.s32 @!p0 $0xAA00;
	s29 =	simm.s32 @!p0 $0x0  }
0xbe: {  	[tilespmem:s23], [sflag:$0x2] =	stream.indirect_vreg.gather @!p0 [hbm4b:s1+s29], $0x80, v2, vm1, $0xb8;
	[tilespmem:$0x1EA00] =	vst v63  }
0xbf: {  	s23 =	simm.s32 @!p0 $0xB200  }
0xc0: {  	[tilespmem:s23], [sflag:$0x2] =	stream.indirect_vreg.gather @!p0 [hbm4b:s5+s29], $0x80, v2, vm1, $0xb8;
	[tilespmem:$0x1EA00] =	vst v63  }
0xc1: {  	s23 =	simm.s32 @!p0 $0xBA00  }
0xc2: {  	[tilespmem:s23], [sflag:$0x2] =	stream.indirect_vreg.gather @!p0 [hbm4b:s6+s29], $0x80, v2, vm1, $0xb8;
	[tilespmem:$0x1EA00] =	vst v63  }
0xc3: {  	s23 =	simm.s32 @!p0 $0xC200  }
0xc4: {  	[tilespmem:s23], [sflag:$0x2] =	stream.indirect_vreg.gather @!p0 [hbm4b:s7+s29], $0x80, v2, vm1, $0xb8;
	[tilespmem:$0x1EA00] =	vst v63  }
0xc5: {  	s23 =	simm.s32 @!p0 $0xCA00  }
0xc6: {  	[tilespmem:s23], [sflag:$0x2] =	stream.indirect_vreg.gather @!p0 [hbm4b:s8+s29], $0x80, v2, vm1, $0xb8;
	[tilespmem:$0x1EA00] =	vst v63  }
0xc7: {  	s23 =	simm.s32 @!p0 $0xD200  }
0xc8: {  	[tilespmem:s23], [sflag:$0x2] =	stream.indirect_vreg.gather @!p0 [hbm4b:s9+s29], $0x80, v2, vm1, $0xb8;
	[tilespmem:$0x1EA00] =	vst v63  }
0xc9: {  	s23 =	simm.s32 @!p0 $0xDA00  }
0xca: {  	[tilespmem:s23], [sflag:$0x2] =	stream.indirect_vreg.gather @!p0 [hbm4b:s10+s29], $0x80, v2, vm1, $0xb8;
	[tilespmem:$0x1EA00] =	vst v63  }
0xcb: {  	s23 =	simm.s32 @!p0 $0xE200  }
0xcc: {  	[tilespmem:s23], [sflag:$0x2] =	stream.indirect_vreg.gather @!p0 [hbm4b:s11+s29], $0x80, v2, vm1, $0xb8;
	[tilespmem:$0x1EA00] =	vst v63  }
0xcd: {  	s23 =	simm.s32 @!p0 $0xEA00  }
0xce: {  	[tilespmem:s23], [sflag:$0x2] =	stream.indirect_vreg.gather @!p0 [hbm4b:s12+s29], $0x80, v2, vm1, $0xb8;
	[tilespmem:$0x1EA00] =	vst v63  }
0xcf: {  	s23 =	simm.s32 @!p0 $0xF200  }
0xd0: {  	[tilespmem:s23], [sflag:$0x2] =	stream.indirect_vreg.gather @!p0 [hbm4b:s13+s29], $0x80, v2, vm1, $0xb8;
	[tilespmem:$0x1EA00] =	vst v63  }
0xd1: {  	s23 =	simm.s32 @!p0 $0xFA00  }
0xd2: {  	[tilespmem:s23], [sflag:$0x2] =	stream.indirect_vreg.gather @!p0 [hbm4b:s14+s29], $0x80, v2, vm1, $0xb8;
	[tilespmem:$0x1EA00] =	vst v63  }
0xd3: {  	s23 =	simm.s32 @!p0 $0x10200  }
0xd4: {  	[tilespmem:s23], [sflag:$0x2] =	stream.indirect_vreg.gather @!p0 [hbm4b:s15+s29], $0x80, v2, vm1, $0xb8;
	[tilespmem:$0x1EA00] =	vst v63  }
0xd5: {  	s23 =	simm.s32 @!p0 $0x10A00  }
0xd6: {  	[tilespmem:s23], [sflag:$0x2] =	stream.indirect_vreg.gather @!p0 [hbm4b:s16+s29], $0x80, v2, vm1, $0xb8;
	[tilespmem:$0x1EA00] =	vst v63  }
0xd7: {  	s23 =	simm.s32 @!p0 $0x11200  }
0xd8: {  	[tilespmem:s23], [sflag:$0x2] =	stream.indirect_vreg.gather @!p0 [hbm4b:s17+s29], $0x80, v2, vm1, $0xb8;
	[tilespmem:$0x1EA00] =	vst v63  }
0xd9: {  	s23 =	simm.s32 @!p0 $0x11A00  }
0xda: {  	[tilespmem:s23], [sflag:$0x2] =	stream.indirect_vreg.gather @!p0 [hbm4b:s18+s29], $0x80, v2, vm1, $0xb8;
	[tilespmem:$0x1EA00] =	vst v63  }
0xdb: {  	s23 =	simm.s32 @!p0 $0x12200  }
0xdc: {  	[tilespmem:s23], [sflag:$0x2] =	stream.indirect_vreg.gather @!p0 [hbm4b:s19+s29], $0x80, v2, vm1, $0xb8;
	[tilespmem:$0x1EA00] =	vst v63  }
0xdd: {  	s23 =	simm.s32 @!p0 $0x12A00  }
0xde: {  	[tilespmem:s23], [sflag:$0x2] =	stream.indirect_vreg.gather @!p0 [hbm4b:s20+s29], $0x80, v2, vm1, $0xb8;
	[tilespmem:$0x1EA00] =	vst v63  }
0xdf: {  	s23 =	simm.s32 @!p0 $0x13200  }
0xe0: {  	[tilespmem:s23], [sflag:$0x2] =	stream.indirect_vreg.gather @!p0 [hbm4b:s21+s29], $0x80, v2, vm1, $0xb8;
	[tilespmem:$0x1EA00] =	vst v63  }
0xe1: {  	s23 =	simm.s32 @!p0 $0x13A00  }
0xe2: {  	[tilespmem:s23], [sflag:$0x2] =	stream.indirect_vreg.gather @!p0 [hbm4b:s22+s29], $0x80, v2, vm1, $0xb8;
	[tilespmem:$0x1EA00] =	vst v63  }
0xe3: {  	s23 =	simm.s32 @!p0 $0x14200  }
0xe4: {  	[tilespmem:s23], [sflag:$0x2] =	stream.indirect_vreg.gather @!p0 [hbm4b:s24+s29], $0x80, v2, vm1, $0xb8;
	[tilespmem:$0x1EA00] =	vst v63  }
0xe5: {  	_ =	swait.ge [sflag:s4], $0xA000  }
0xe6: {  	[sflag:s4] =	ssyncset.done $0x0  }
0xe7: {  	s23 =	sadd.s32 $0x1400, s25;
	s29 =	simm.s32 $0xAA00;
	[sflag:s4] =	ssyncadd.s32 $0xFFFF6000  }
0xe8: {  	[hbm4b:s23+s3] =	stream.linear.scatter [tilespmem:s29], [sflag:$0x5], $0xA000, $0x38;
	[tilespmem:$0x1EA00] =	vst v63  }
0xe9: {  	s29 =	sadd.s32 $0x1, s31  }
0xea: {  	p1 =	sgt.u32 s29, $0x13F  }
.Ltmp2:
0xeb: {  	_ = 	snop;
	(pc) =	sbr.rel @p1 .LBB2_5-.Ltmp2, $2  }
0xec: {  	_ =	sdelay $0x2  }
0xed: {  	p0 =	seq.s32 s2, $0x18D800  }
.Ltmp3:
0xee: {  	(pc) =	sbr.rel @p0 .LBB2_7-.Ltmp3, $4  }
0xef: {  	s23 =	simm.s32 $0x6  }
0xf0: {  	_ =	swait.ge [sflag:s23], $0xA000  }
0xf1: {  	[sflag:s23] =	ssyncset.done $0x0  }
0xf2: {  	[sflag:s23] =	ssyncadd.s32 $0xFFFF6000  }
0xf3: {  	v2 =	vld.msk [tilespmem:s30+$0x0], $0xff;
	_ =	sdelay $0x4  }
0xf4: {  	v3 =	vshrl.u32 v2, $0x3  }
0xf5: {  	v3 =	vmul.u32 $0x140, v3  }
0xf6: {  	v2 =	vand.u32 $0x7, v2  }
0xf7: {  	v2 =	vor.u32 v2, v3  }
0xf8: {  	v2 =	vperm.xlane v2, v0;
	_ =	sdelay $0x1  }
0xf9: {  	v2 =	vadd.s32 v1, v2;
	_ =	sdelay $0x3  }
0xfa: {  	s23 =	simm.s32 $0x14A00  }
0xfb: {  	[tilespmem:s23], [sflag:$0x3] =	stream.indirect_vreg.gather [hbm4b:s1+s3], $0x80, v2, vm0, $0xb8;
	[tilespmem:$0x1EA00] =	vst v63  }
0xfc: {  	s29 =	simm.s32 $0x15200  }
0xfd: {  	[tilespmem:s29], [sflag:$0x3] =	stream.indirect_vreg.gather [hbm4b:s5+s3], $0x80, v2, vm0, $0xb8;
	[tilespmem:$0x1EA00] =	vst v63  }
0xfe: {  	s29 =	simm.s32 $0x15A00  }
0xff: {  	[tilespmem:s29], [sflag:$0x3] =	stream.indirect_vreg.gather [hbm4b:s6+s3], $0x80, v2, vm0, $0xb8;
	[tilespmem:$0x1EA00] =	vst v63  }
0x100: {  	s29 =	simm.s32 $0x16200  }
0x101: {  	[tilespmem:s29], [sflag:$0x3] =	stream.indirect_vreg.gather [hbm4b:s7+s3], $0x80, v2, vm0, $0xb8;
	[tilespmem:$0x1EA00] =	vst v63  }
0x102: {  	s29 =	simm.s32 $0x16A00  }
0x103: {  	[tilespmem:s29], [sflag:$0x3] =	stream.indirect_vreg.gather [hbm4b:s8+s3], $0x80, v2, vm0, $0xb8;
	[tilespmem:$0x1EA00] =	vst v63  }
0x104: {  	s29 =	simm.s32 $0x17200  }
0x105: {  	[tilespmem:s29], [sflag:$0x3] =	stream.indirect_vreg.gather [hbm4b:s9+s3], $0x80, v2, vm0, $0xb8;
	[tilespmem:$0x1EA00] =	vst v63  }
0x106: {  	s29 =	simm.s32 $0x17A00  }
0x107: {  	[tilespmem:s29], [sflag:$0x3] =	stream.indirect_vreg.gather [hbm4b:s10+s3], $0x80, v2, vm0, $0xb8;
	[tilespmem:$0x1EA00] =	vst v63  }
0x108: {  	s29 =	simm.s32 $0x18200  }
0x109: {  	[tilespmem:s29], [sflag:$0x3] =	stream.indirect_vreg.gather [hbm4b:s11+s3], $0x80, v2, vm0, $0xb8;
	[tilespmem:$0x1EA00] =	vst v63  }
0x10a: {  	s29 =	simm.s32 $0x18A00  }
0x10b: {  	[tilespmem:s29], [sflag:$0x3] =	stream.indirect_vreg.gather [hbm4b:s12+s3], $0x80, v2, vm0, $0xb8;
	[tilespmem:$0x1EA00] =	vst v63  }
0x10c: {  	s29 =	simm.s32 $0x19200  }
0x10d: {  	[tilespmem:s29], [sflag:$0x3] =	stream.indirect_vreg.gather [hbm4b:s13+s3], $0x80, v2, vm0, $0xb8;
	[tilespmem:$0x1EA00] =	vst v63  }
0x10e: {  	s29 =	simm.s32 $0x19A00  }
0x10f: {  	[tilespmem:s29], [sflag:$0x3] =	stream.indirect_vreg.gather [hbm4b:s14+s3], $0x80, v2, vm0, $0xb8;
	[tilespmem:$0x1EA00] =	vst v63  }
0x110: {  	s29 =	simm.s32 $0x1A200  }
0x111: {  	[tilespmem:s29], [sflag:$0x3] =	stream.indirect_vreg.gather [hbm4b:s15+s3], $0x80, v2, vm0, $0xb8;
	[tilespmem:$0x1EA00] =	vst v63  }
0x112: {  	s29 =	simm.s32 $0x1AA00  }
0x113: {  	[tilespmem:s29], [sflag:$0x3] =	stream.indirect_vreg.gather [hbm4b:s16+s3], $0x80, v2, vm0, $0xb8;
	[tilespmem:$0x1EA00] =	vst v63  }
0x114: {  	s29 =	simm.s32 $0x1B200  }
0x115: {  	[tilespmem:s29], [sflag:$0x3] =	stream.indirect_vreg.gather [hbm4b:s17+s3], $0x80, v2, vm0, $0xb8;
	[tilespmem:$0x1EA00] =	vst v63  }
0x116: {  	s29 =	simm.s32 $0x1BA00  }
0x117: {  	[tilespmem:s29], [sflag:$0x3] =	stream.indirect_vreg.gather [hbm4b:s18+s3], $0x80, v2, vm0, $0xb8;
	[tilespmem:$0x1EA00] =	vst v63  }
0x118: {  	s29 =	simm.s32 $0x1C200  }
0x119: {  	[tilespmem:s29], [sflag:$0x3] =	stream.indirect_vreg.gather [hbm4b:s19+s3], $0x80, v2, vm0, $0xb8;
	[tilespmem:$0x1EA00] =	vst v63  }
0x11a: {  	s29 =	simm.s32 $0x1CA00  }
0x11b: {  	[tilespmem:s29], [sflag:$0x3] =	stream.indirect_vreg.gather [hbm4b:s20+s3], $0x80, v2, vm0, $0xb8;
	[tilespmem:$0x1EA00] =	vst v63  }
0x11c: {  	s29 =	simm.s32 $0x1D200  }
0x11d: {  	[tilespmem:s29], [sflag:$0x3] =	stream.indirect_vreg.gather [hbm4b:s21+s3], $0x80, v2, vm0, $0xb8;
	[tilespmem:$0x1EA00] =	vst v63  }
.Ltmp4:
0x11e: {  	_ = 	snop;
	(pc) =	sbr.rel .LBB2_6-.Ltmp4, $4  }
0x11f: {  	s29 =	simm.s32 $0x1DA00  }
0x120: {  	[tilespmem:s29], [sflag:$0x3] =	stream.indirect_vreg.gather [hbm4b:s22+s3], $0x80, v2, vm0, $0xb8;
	[tilespmem:$0x1EA00] =	vst v63  }
0x121: {  	s29 =	simm.s32 $0x1E200  }
0x122: {  	[tilespmem:s29], [sflag:$0x3] =	stream.indirect_vreg.gather [hbm4b:s24+s3], $0x80, v2, vm0, $0xb8;
	[tilespmem:$0x1EA00] =	vst v63  }
.LBB2_5:
.Ltmp5:
0x123: {  	(pc) =	sbr.rel @p0 .LBB2_7-.Ltmp5, $1  }
0x124: {  	_ =	sdelay $0x3  }
.LBB2_6:
0x125: {  	s23 =	simm.s32 $0x3  }
0x126: {  	_ =	swait.ge [sflag:s23], $0xA000  }
0x127: {  	[sflag:s23] =	ssyncset.done $0x0  }
0x128: {  	s25 =	sadd.s32 $0x2800, s25;
	s29 =	simm.s32 $0x14A00;
	[sflag:s23] =	ssyncadd.s32 $0xFFFF6000  }
0x129: {  	[hbm4b:s25+s3] =	stream.linear.scatter [tilespmem:s29], [sflag:$0x6], $0xA000, $0x38;
	[tilespmem:$0x1EA00] =	vst v63  }
.LBB2_7:
.Ltmp6:
0x12a: {  	(pc) =	sbr.rel @p0 .LBB2_9-.Ltmp6, $4  }
0x12b: {  	_ = 	snop  }
0x12c: {  	_ =	swait.ge [sflag:s26], $0xA000  }
0x12d: {  	[sflag:s26] =	ssyncset.done $0x0  }
0x12e: {  	[sflag:s26] =	ssyncadd.s32 $0xFFFF6000  }
0x12f: {  	v2 =	vld.msk [tilespmem:s30+$0x8], $0xff;
	_ =	sdelay $0x4  }
0x130: {  	v3 =	vshrl.u32 v2, $0x3  }
0x131: {  	v3 =	vmul.u32 $0x140, v3  }
0x132: {  	v2 =	vand.u32 $0x7, v2  }
0x133: {  	v2 =	vor.u32 v2, v3  }
0x134: {  	v2 =	vperm.xlane v2, v0;
	_ =	sdelay $0x1  }
0x135: {  	v2 =	vadd.s32 v1, v2;
	_ =	sdelay $0x4  }
0x136: {  	[tilespmem:s28], [sflag:$0x1] =	stream.indirect_vreg.gather [hbm4b:s1+s3], $0x80, v2, vm0, $0xb8;
	[tilespmem:$0x1EA00] =	vst v63  }
0x137: {  	s23 =	simm.s32 $0x1200  }
0x138: {  	[tilespmem:s23], [sflag:$0x1] =	stream.indirect_vreg.gather [hbm4b:s5+s3], $0x80, v2, vm0, $0xb8;
	[tilespmem:$0x1EA00] =	vst v63  }
0x139: {  	s25 =	simm.s32 $0x1A00  }
0x13a: {  	[tilespmem:s25], [sflag:$0x1] =	stream.indirect_vreg.gather [hbm4b:s6+s3], $0x80, v2, vm0, $0xb8;
	[tilespmem:$0x1EA00] =	vst v63  }
0x13b: {  	s29 =	simm.s32 $0x2200  }
0x13c: {  	[tilespmem:s29], [sflag:$0x1] =	stream.indirect_vreg.gather [hbm4b:s7+s3], $0x80, v2, vm0, $0xb8;
	[tilespmem:$0x1EA00] =	vst v63  }
0x13d: {  	s25 =	simm.s32 $0x2A00  }
0x13e: {  	[tilespmem:s25], [sflag:$0x1] =	stream.indirect_vreg.gather [hbm4b:s8+s3], $0x80, v2, vm0, $0xb8;
	[tilespmem:$0x1EA00] =	vst v63  }
0x13f: {  	s29 =	simm.s32 $0x3200  }
0x140: {  	[tilespmem:s29], [sflag:$0x1] =	stream.indirect_vreg.gather [hbm4b:s9+s3], $0x80, v2, vm0, $0xb8;
	[tilespmem:$0x1EA00] =	vst v63  }
0x141: {  	s25 =	simm.s32 $0x3A00  }
0x142: {  	[tilespmem:s25], [sflag:$0x1] =	stream.indirect_vreg.gather [hbm4b:s10+s3], $0x80, v2, vm0, $0xb8;
	[tilespmem:$0x1EA00] =	vst v63  }
0x143: {  	s29 =	simm.s32 $0x4200  }
0x144: {  	[tilespmem:s29], [sflag:$0x1] =	stream.indirect_vreg.gather [hbm4b:s11+s3], $0x80, v2, vm0, $0xb8;
	[tilespmem:$0x1EA00] =	vst v63  }
0x145: {  	s25 =	simm.s32 $0x4A00  }
0x146: {  	[tilespmem:s25], [sflag:$0x1] =	stream.indirect_vreg.gather [hbm4b:s12+s3], $0x80, v2, vm0, $0xb8;
	[tilespmem:$0x1EA00] =	vst v63  }
0x147: {  	s29 =	simm.s32 $0x5200  }
0x148: {  	[tilespmem:s29], [sflag:$0x1] =	stream.indirect_vreg.gather [hbm4b:s13+s3], $0x80, v2, vm0, $0xb8;
	[tilespmem:$0x1EA00] =	vst v63  }
0x149: {  	s25 =	simm.s32 $0x5A00  }
0x14a: {  	[tilespmem:s25], [sflag:$0x1] =	stream.indirect_vreg.gather [hbm4b:s14+s3], $0x80, v2, vm0, $0xb8;
	[tilespmem:$0x1EA00] =	vst v63  }
0x14b: {  	s29 =	simm.s32 $0x6200  }
0x14c: {  	[tilespmem:s29], [sflag:$0x1] =	stream.indirect_vreg.gather [hbm4b:s15+s3], $0x80, v2, vm0, $0xb8;
	[tilespmem:$0x1EA00] =	vst v63  }
0x14d: {  	s25 =	simm.s32 $0x6A00  }
0x14e: {  	[tilespmem:s25], [sflag:$0x1] =	stream.indirect_vreg.gather [hbm4b:s16+s3], $0x80, v2, vm0, $0xb8;
	[tilespmem:$0x1EA00] =	vst v63  }
0x14f: {  	s29 =	simm.s32 $0x7200  }
0x150: {  	[tilespmem:s29], [sflag:$0x1] =	stream.indirect_vreg.gather [hbm4b:s17+s3], $0x80, v2, vm0, $0xb8;
	[tilespmem:$0x1EA00] =	vst v63  }
0x151: {  	s25 =	simm.s32 $0x7A00  }
0x152: {  	[tilespmem:s25], [sflag:$0x1] =	stream.indirect_vreg.gather [hbm4b:s18+s3], $0x80, v2, vm0, $0xb8;
	[tilespmem:$0x1EA00] =	vst v63  }
0x153: {  	s29 =	simm.s32 $0x8200  }
0x154: {  	[tilespmem:s29], [sflag:$0x1] =	stream.indirect_vreg.gather [hbm4b:s19+s3], $0x80, v2, vm0, $0xb8;
	[tilespmem:$0x1EA00] =	vst v63  }
0x155: {  	s25 =	simm.s32 $0x8A00  }
0x156: {  	[tilespmem:s25], [sflag:$0x1] =	stream.indirect_vreg.gather [hbm4b:s20+s3], $0x80, v2, vm0, $0xb8;
	[tilespmem:$0x1EA00] =	vst v63  }
0x157: {  	s29 =	simm.s32 $0x9200  }
0x158: {  	[tilespmem:s29], [sflag:$0x1] =	stream.indirect_vreg.gather [hbm4b:s21+s3], $0x80, v2, vm0, $0xb8;
	[tilespmem:$0x1EA00] =	vst v63  }
.Ltmp7:
0x159: {  	_ = 	snop;
	(pc) =	sbr.rel .LBB2_2-.Ltmp7, $4  }
0x15a: {  	s2 =	sadd.s32 $0x3C00, s2;
	s25 =	simm.s32 $0x9A00  }
0x15b: {  	[tilespmem:s25], [sflag:$0x1] =	stream.indirect_vreg.gather [hbm4b:s22+s3], $0x80, v2, vm0, $0xb8;
	[tilespmem:$0x1EA00] =	vst v63  }
0x15c: {  	s30 =	sadd.s32 $0x18, s30;
	s31 =	sadd.s32 $0x3, s31;
	s29 =	simm.s32 $0xA200  }
0x15d: {  	[tilespmem:s29], [sflag:$0x1] =	stream.indirect_vreg.gather [hbm4b:s24+s3], $0x80, v2, vm0, $0xb8;
	[tilespmem:$0x1EA00] =	vst v63  }
.LBB2_10:
0x15e: {  	_ =	sfence.sel $0x180000  }
0x15f: {  	[bflag:$0x0] =	sbarrier.arrive $0xFFFF  }
0x160: {  	_ =	strace $0x90000047  }
0x161: {  	s0 =	stileid.u32;
	[bflag:$0x2] =	sbarrier.arrive $0xFFFF  }
0x162: {  	p0 =	sne.s32 s0, $0x0;
	s0 =	rddreg [dreg:$0x3]  }
0x163: {  	s0 =	sadd.s32 @!p0 $0x100000, s0  }
0x164: {  	[sflag:s0] =	ssyncadd.tile.s32 @!p0 $0x1;
	_ =	shalt  }
.Lfunc_end2:
_tile_overlayer_lowered:
.L_overlay_start_2:
0x165: {  	(tag) =	ssettag $0x2  }
0x166: {  	s0 =	rddreg [dreg:$0x0];
	s2 =	stileid.u32  }
0x167: {  	s1 =	rddreg [dreg:$0x1];
	p0 =	sne.s32 s2, $0x0  }
0x168: {  	s3 =	rddreg [dreg:$0x2];
	[bflag:$0x3] =	sbarrier.arrive $0xFFFF;
	s2 =	simm.s32 @!p0 $0x1C07  }
0x169: {  	[timem:s3], [sflag:s2] =	dma.local @!p0 [hbm:s0], s1  }
0x16a: {  	s0 =	simm.s32 @!p0 $0x7  }
0x16b: {  	_ =	swait.ge @!p0 [sflag:s0], s1  }
0x16c: {  	s1 =	ssub.s32 @!p0 $0x0, s1;
	[sflag:s0] =	ssyncset.done @!p0 $0x0  }
0x16d: {  	[sflag:s0] =	ssyncadd.s32 @!p0 s1  }
0x16e: {  	[bflag:$0x3] =	sbarrier.arrive $0xFFFF  }
0x16f: {  	_ =	shalt  }

</sc_bundles>
